<compile_context>
chip_gen: v7x
topology: tpu7x:2x2x1
jax: 0.10.2.dev20260603
libtpu: 0.0.44.dev20260713+nightly
codegen_flags: <defaults>
</compile_context>

<pallas_src>
import functools

import jax
import jax.numpy as jnp
import numpy as np
from jax import lax
from jax.experimental import pallas as pl
from jax.experimental.pallas import tpu as pltpu
from jax.experimental.pallas import tpu_sc as plsc

NB_ATOMS = 512
SPLINE_SIZE = 61
SPLINE_RANGE = 2.0
BATCH = 16384
GRID = 2.0 * SPLINE_RANGE / (SPLINE_SIZE - 1)
HALF = SPLINE_SIZE // 2

NC = 2
NS = 16
NW = NC * NS
APW = NB_ATOMS // NW
TW = APW * SPLINE_SIZE
NCHUNK = APW
NPAIR = NCHUNK // 2
REPW = 16 * SPLINE_SIZE
TWREP = APW * REPW


def _forward(x, coefficients_vect):
    mesh = plsc.VectorSubcoreMesh(core_axis_name="c", subcore_axis_name="s")

    @functools.partial(
        pl.kernel,
        out_type=jax.ShapeDtypeStruct((NB_ATOMS, BATCH), jnp.float32),
        mesh=mesh,
        compiler_params=pltpu.CompilerParams(needs_layout_passes=False),
        scratch_types=[
            pltpu.VMEM((TW,), jnp.float32),
            pltpu.VMEM((TW,), jnp.float32),
            pltpu.VMEM((TW,), jnp.float32),
            pltpu.VMEM((TWREP,), jnp.float32),
            pltpu.VMEM((TWREP,), jnp.float32),
            pltpu.VMEM((BATCH,), jnp.float32),
            pltpu.VMEM((BATCH,), jnp.float32),
            pltpu.VMEM((BATCH,), jnp.float32),
            pltpu.VMEM((BATCH,), jnp.float32),
            pltpu.SemaphoreType.DMA,
            pltpu.SemaphoreType.DMA,
            pltpu.SemaphoreType.DMA,
            pltpu.SemaphoreType.DMA,
        ],
    )
    def body(x_hbm, c_hbm, out_hbm, raw_v, proj_v, slp_v, arep_v, srep_v,
             xb0, xb1, ob0, ob1, si0, si1, so0, so1):
        wid = lax.axis_index("s") * NC + lax.axis_index("c")
        lanes = lax.iota(jnp.int32, 16)
        bi = lanes * SPLINE_SIZE
        row0 = wid * APW

        pltpu.make_async_copy(x_hbm.at[row0], xb0, si0).start()

        pltpu.sync_copy(c_hbm.at[pl.ds(wid * TW, TW)], raw_v)

        zero = jnp.zeros((16,), jnp.float32)
        col0 = plsc.load_gather(raw_v, [bi])
        plsc.store_scatter(proj_v, [bi], zero)

        def pbody(j, c):
            col_prev, acc, sum_c, sum_p = c
            col = plsc.load_gather(raw_v, [bi + j])
            slope = jnp.minimum(jnp.maximum(col - col_prev, 0.0),
                                jnp.float32(GRID))
            acc = acc + slope
            plsc.store_scatter(proj_v, [bi + j], acc)
            plsc.store_scatter(slp_v, [bi + (j - 1)], slope)
            return (col, acc, sum_c + col, sum_p + acc)

        _, _, sum_c, sum_p = lax.fori_loop(
            1, SPLINE_SIZE, pbody, (col0, zero, col0, zero))
        mean = (sum_c - sum_p) * jnp.float32(1.0 / SPLINE_SIZE)

        bi16 = lanes * REPW
        perms = [bi16 + ((lanes + t) & 15) for t in range(16)]

        def abody(j, carry):
            v = plsc.load_gather(proj_v, [bi + j])
            s = plsc.load_gather(slp_v, [bi + j])
            jf = (j - HALF).astype(jnp.float32)
            a = v + mean - jf * s
            col = 16 * j
            for t in range(16):
                idx = col + perms[t]
                plsc.store_scatter(arep_v, [idx], a)
                plsc.store_scatter(srep_v, [idx], s)
            return carry

        lax.fori_loop(0, SPLINE_SIZE - 1, abody, 0)

        inv_g = jnp.float32(1.0 / GRID)
        q_lo = jnp.float32(np.float32(-(GRID * HALF)) / np.float32(GRID))
        q_hi = jnp.float32(28.75)

        def in_copy(r, buf, sem):
            return pltpu.make_async_copy(x_hbm.at[row0 + r], buf, sem)

        def out_copy(r, buf, sem):
            return pltpu.make_async_copy(buf, out_hbm.at[row0 + r], sem)

        def compute(r, xb, ob):
            lane_base = lanes + (
                r * REPW + 16 * (HALF - 128) + 1342177280)

            @plsc.parallel_loop(0, BATCH, 16, unroll=4)
            def col_body(c0):
                xv = xb[pl.ds(c0, 16)]
                q = xv * inv_g
                qc = jnp.minimum(jnp.maximum(q, q_lo), q_hi)
                y = (qc + 127.5) + jnp.float32(8388608.0)
                idx = (plsc.bitcast(y, jnp.int32) << 4) + lane_base
                av = plsc.load_gather(arep_v, [idx])
                sv = plsc.load_gather(srep_v, [idx])
                ob[pl.ds(c0, 16)] = av + q * sv

        def pair_body(i, carry):
            c0 = 2 * i
            c1 = c0 + 1
            in_copy(c1, xb1, si1).start()
            in_copy(c0, xb0, si0).wait()

            @pl.when(i > 0)
            def _():
                out_copy(c0, ob0, so0).wait()

            compute(c0, xb0, ob0)
            out_copy(c0, ob0, so0).start()

            @pl.when(i < NPAIR - 1)
            def _():
                in_copy(c0 + 2, xb0, si0).start()

            in_copy(c1, xb1, si1).wait()

            @pl.when(i > 0)
            def _():
                out_copy(c1, ob1, so1).wait()

            compute(c1, xb1, ob1)
            out_copy(c1, ob1, so1).start()
            return carry

        lax.fori_loop(0, NPAIR, pair_body, 0)
        out_copy(NCHUNK - 2, ob0, so0).wait()
        out_copy(NCHUNK - 1, ob1, so1).wait()

    return body(x, coefficients_vect)


def kernel(x, coefficients_vect, L):
    del L
    return _forward(x, coefficients_vect)

# --- scband reference (transcript-rebuilt; emitter-appended) ---
"""Pipeline reference for scband-learn-prox-89386859364948 (READ-ONLY COPY).

The authoritative reference and input builder live on the scoring server;
editing this copy changes nothing except your own understanding.
"""

import jax, jax.numpy as jnp
import numpy as np

NB_ATOMS = 512
SPLINE_SIZE = 61
SPLINE_RANGE = 2.0
BATCH = 16384
GRID = 2.0 * SPLINE_RANGE / (SPLINE_SIZE - 1)


def setup_inputs(seed: int = 0) -> dict:
    key = jax.random.key(seed)
    kx, = jax.random.split(key, 1)
    x = jax.random.normal(kx, (NB_ATOMS, BATCH), dtype=jnp.float32)
    # learned parameter: coefficients_vect initialized as linspace per atom (identity init)
    grid_tensor = jnp.broadcast_to(
        jnp.linspace(-SPLINE_RANGE, SPLINE_RANGE, SPLINE_SIZE, dtype=jnp.float32),
        (NB_ATOMS, SPLINE_SIZE))
    coefficients_vect = grid_tensor.reshape(-1)
    return {"x": x, "coefficients_vect": coefficients_vect, "L": 1}


def _project(coefficients_vect):
    coeffs = coefficients_vect.reshape(NB_ATOMS, SPLINE_SIZE)
    new_slopes = jnp.clip(coeffs[:, 1:] - coeffs[:, :-1], 0.0, GRID)
    proj = jnp.concatenate(
        [jnp.zeros((NB_ATOMS, 1), dtype=coeffs.dtype),
         jnp.cumsum(new_slopes, axis=1)], axis=1)
    proj = proj + jnp.mean(coeffs - proj, axis=1, keepdims=True)
    return proj.reshape(-1)


def _spline_forward(x, projected_coeffs):
    # x: [nb_atoms, batch] -> x.T reshaped to [batch, nb_atoms, 1, 1]
    xt = x.T.reshape(BATCH, NB_ATOMS, 1, 1)
    half = SPLINE_SIZE // 2
    max_range = GRID * (half - 1)
    x_clamped = jnp.clip(xt, -(GRID * half), max_range)
    floored_x = jnp.floor(x_clamped / GRID)
    fracs = xt / GRID - floored_x
    zero_knot = (jnp.arange(NB_ATOMS) * SPLINE_SIZE + half).reshape(1, -1, 1, 1)
    indexes = (zero_knot + floored_x).astype(jnp.int32)
    out = jnp.take(projected_coeffs, indexes + 1) * fracs + \
          jnp.take(projected_coeffs, indexes) * (1.0 - fracs)
    out = jnp.squeeze(out, axis=(2, 3)).T  # -> [nb_atoms, batch]
    return out


def reference(x, coefficients_vect, L):
    # project() must be called before forward in the original module
    projected = _project(coefficients_vect)
    return _spline_forward(x, projected)

if __name__ == "__main__":
    import jax
    _d = setup_inputs()
    print(jax.jit(kernel)(*tuple(_d.values())))

</pallas_src>

<mosaic_0001>
#map = affine_map<(d0, d1) -> (0, 0)>
#map1 = affine_map<(d0, d1) -> (0)>
module attributes {stable_mosaic.version = 14 : i64} {
  func.func @body(%arg0: i32, %arg1: i32, %arg2: memref<512x16384xf32, #tpu.memory_space<hbm>>, %arg3: memref<31232xf32, #tpu.memory_space<hbm>>, %arg4: memref<512x16384xf32, #tpu.memory_space<hbm>>, %arg5: memref<976xf32, #tpu.memory_space<vmem>>, %arg6: memref<976xf32, #tpu.memory_space<vmem>>, %arg7: memref<976xf32, #tpu.memory_space<vmem>>, %arg8: memref<15616xf32, #tpu.memory_space<vmem>>, %arg9: memref<15616xf32, #tpu.memory_space<vmem>>, %arg10: memref<16384xf32, #tpu.memory_space<vmem>>, %arg11: memref<16384xf32, #tpu.memory_space<vmem>>, %arg12: memref<16384xf32, #tpu.memory_space<vmem>>, %arg13: memref<16384xf32, #tpu.memory_space<vmem>>, %arg14: memref<!tpu.dma_semaphore, #tpu.memory_space<semaphore_mem>>, %arg15: memref<!tpu.dma_semaphore, #tpu.memory_space<semaphore_mem>>, %arg16: memref<!tpu.dma_semaphore, #tpu.memory_space<semaphore_mem>>, %arg17: memref<!tpu.dma_semaphore, #tpu.memory_space<semaphore_mem>>) attributes {dimension_semantics = [#tpu.dimension_semantics<core_parallel>, #tpu.dimension_semantics<subcore_parallel>], iteration_bounds = array<i64: 2, 16>, scalar_prefetch = 0 : i64, scratch_operands = 13 : i64, tpu.core_type = #tpu.core_type<sc_vector_subcore>, window_params = [{transform_indices = #map}, {transform_indices = #map1}, {transform_indices = #map}]} {
    %mul3A = arith.constant 2 : i32
    %mul3A_0 = arith.muli %arg1, %mul3A : i32
    %add3A = arith.addi %mul3A_0, %arg0 : i32
    %iota3A = tpu.iota {dimensions = array<i32: 0>} : vector<16xi32>
    %mul3A_1 = arith.constant 61 : i32
    %mul3A_2 = vector.broadcast %mul3A_1 : i32 to vector<16xi32>
    %mul3A_3 = arith.muli %iota3A, %mul3A_2 : vector<16xi32>
    %mul3A_4 = arith.constant 16 : i32
    %mul3A_5 = arith.muli %add3A, %mul3A_4 : i32
    %dma_start3A = arith.constant 0 : i32
    %dma_start3A_6 = tpu.memref_slice %arg2[%mul3A_5, %dma_start3A] : memref<512x16384xf32, #tpu.memory_space<hbm>> -> memref<1x16384xf32, #tpu.memory_space<hbm>>
    %dma_start3A_7 = tpu.memref_squeeze %dma_start3A_6 : memref<1x16384xf32, #tpu.memory_space<hbm>> -> memref<16384xf32, #tpu.memory_space<hbm>>
    %dma_start3A_8 = arith.constant 0 : i32
    %dma_start3A_9 = tpu.memref_slice %arg2[%mul3A_5, %dma_start3A_8] : memref<512x16384xf32, #tpu.memory_space<hbm>> -> memref<1x16384xf32, #tpu.memory_space<hbm>>
    %dma_start3A_10 = tpu.memref_squeeze %dma_start3A_9 : memref<1x16384xf32, #tpu.memory_space<hbm>> -> memref<16384xf32, #tpu.memory_space<hbm>>
    tpu.enqueue_dma source(%dma_start3A_10 : memref<16384xf32, #tpu.memory_space<hbm>>) target(%arg10 : memref<16384xf32, #tpu.memory_space<vmem>>) target_semaphore(%arg14 : memref<!tpu.dma_semaphore, #tpu.memory_space<semaphore_mem>>)
    %mul3A_11 = arith.constant 976 : i32
    %mul3A_12 = arith.muli %add3A, %mul3A_11 : i32
    "tpu.region"() ({
      %run_scoped3A = tpu.sem_alloc : memref<!tpu.dma_semaphore, #tpu.memory_space<semaphore_mem>>
      %dma_start3A_166 = tpu.memref_slice %arg3[%mul3A_12] : memref<31232xf32, #tpu.memory_space<hbm>> -> memref<976xf32, #tpu.memory_space<hbm>>
      %dma_start3A_167 = tpu.memref_slice %arg3[%mul3A_12] : memref<31232xf32, #tpu.memory_space<hbm>> -> memref<976xf32, #tpu.memory_space<hbm>>
      tpu.enqueue_dma source(%dma_start3A_167 : memref<976xf32, #tpu.memory_space<hbm>>) target(%arg5 : memref<976xf32, #tpu.memory_space<vmem>>) target_semaphore(%run_scoped3A : memref<!tpu.dma_semaphore, #tpu.memory_space<semaphore_mem>>)
      %dma_wait3A_168 = tpu.memref_slice %arg3[%mul3A_12] : memref<31232xf32, #tpu.memory_space<hbm>> -> memref<976xf32, #tpu.memory_space<hbm>>
      %dma_wait3A_169 = tpu.memref_slice %arg3[%mul3A_12] : memref<31232xf32, #tpu.memory_space<hbm>> -> memref<976xf32, #tpu.memory_space<hbm>>
      tpu.wait_dma2 semaphore(%run_scoped3A : memref<!tpu.dma_semaphore, #tpu.memory_space<semaphore_mem>>) src(%dma_wait3A_169 : memref<976xf32, #tpu.memory_space<hbm>>) dst(%arg5 : memref<976xf32, #tpu.memory_space<vmem>>)
      tpu.yield
    }) : () -> ()
    %broadcast_in_dim3A = arith.constant 0.000000e+00 : f32
    %broadcast_in_dim3A_13 = vector.broadcast %broadcast_in_dim3A : f32 to vector<16xf32>
    %gather3A = tpu.vector_load_idx %arg5[%mul3A_3] : memref<976xf32, #tpu.memory_space<vmem>>[vector<16xi32>], vector<16xf32>,
    tpu.vector_store_idx %arg6[%mul3A_3], %broadcast_in_dim3A_13 : memref<976xf32, #tpu.memory_space<vmem>>[vector<16xi32>], vector<16xf32>,
    %scan3A = arith.constant 1 : i32
    %scan3A_14 = arith.constant 60 : i32
    %scan3A_15 = arith.addi %scan3A, %scan3A_14 : i32
    %scan3A_16 = arith.constant 1 : i32
    %scan3A_17:4 = scf.for %scan3A_166 = %scan3A to %scan3A_15 step %scan3A_16 iter_args(%scan3A_167 = %gather3A, %scan3A_168 = %broadcast_in_dim3A_13, %scan3A_169 = %gather3A, %scan3A_170 = %broadcast_in_dim3A_13) -> (vector<16xf32>, vector<16xf32>, vector<16xf32>, vector<16xf32>)  : i32 {
      %add3A_171 = vector.broadcast %scan3A_166 : i32 to vector<16xi32>
      %add3A_172 = arith.addi %mul3A_3, %add3A_171 : vector<16xi32>
      %gather3A_173 = tpu.vector_load_idx %arg5[%add3A_172] : memref<976xf32, #tpu.memory_space<vmem>>[vector<16xi32>], vector<16xf32>,
      %sub3A_174 = arith.subf %gather3A_173, %scan3A_167 : vector<16xf32>
      %max3A = arith.constant 0.000000e+00 : f32
      %max3A_175 = vector.broadcast %max3A : f32 to vector<16xf32>
      %max3A_176 = arith.maximumf %sub3A_174, %max3A_175 : vector<16xf32>
      %min3A = arith.constant 0.0666666701 : f32
      %min3A_177 = vector.broadcast %min3A : f32 to vector<16xf32>
      %min3A_178 = arith.minimumf %max3A_176, %min3A_177 : vector<16xf32>
      %add3A_179 = arith.addf %scan3A_168, %min3A_178 : vector<16xf32>
      %add3A_180 = vector.broadcast %scan3A_166 : i32 to vector<16xi32>
      %add3A_181 = arith.addi %mul3A_3, %add3A_180 : vector<16xi32>
      tpu.vector_store_idx %arg6[%add3A_181], %add3A_179 : memref<976xf32, #tpu.memory_space<vmem>>[vector<16xi32>], vector<16xf32>,
      %sub3A_182 = arith.constant 1 : i32
      %sub3A_183 = arith.subi %scan3A_166, %sub3A_182 : i32
      %add3A_184 = vector.broadcast %sub3A_183 : i32 to vector<16xi32>
      %add3A_185 = arith.addi %mul3A_3, %add3A_184 : vector<16xi32>
      tpu.vector_store_idx %arg7[%add3A_185], %min3A_178 : memref<976xf32, #tpu.memory_space<vmem>>[vector<16xi32>], vector<16xf32>,
      %add3A_186 = arith.addf %scan3A_169, %gather3A_173 : vector<16xf32>
      %add3A_187 = arith.addf %scan3A_170, %add3A_179 : vector<16xf32>
      scf.yield %gather3A_173, %add3A_179, %add3A_186, %add3A_187 : vector<16xf32>, vector<16xf32>, vector<16xf32>, vector<16xf32>
    }
    %scan3A_18 = arith.constant 60 : i32
    %sub3A = arith.subf %scan3A_17#2, %scan3A_17#3 : vector<16xf32>
    %mul3A_19 = arith.constant 0.0163934417 : f32
    %mul3A_20 = vector.broadcast %mul3A_19 : f32 to vector<16xf32>
    %mul3A_21 = arith.mulf %sub3A, %mul3A_20 : vector<16xf32>
    %mul3A_22 = arith.constant 976 : i32
    %mul3A_23 = vector.broadcast %mul3A_22 : i32 to vector<16xi32>
    %mul3A_24 = arith.muli %iota3A, %mul3A_23 : vector<16xi32>
    %add3A_25 = arith.constant 0 : i32
    %add3A_26 = vector.broadcast %add3A_25 : i32 to vector<16xi32>
    %add3A_27 = arith.addi %iota3A, %add3A_26 : vector<16xi32>
    %and3A = arith.constant 15 : i32
    %and3A_28 = vector.broadcast %and3A : i32 to vector<16xi32>
    %and3A_29 = arith.andi %add3A_27, %and3A_28 : vector<16xi32>
    %add3A_30 = arith.addi %mul3A_24, %and3A_29 : vector<16xi32>
    %add3A_31 = arith.constant 1 : i32
    %add3A_32 = vector.broadcast %add3A_31 : i32 to vector<16xi32>
    %add3A_33 = arith.addi %iota3A, %add3A_32 : vector<16xi32>
    %and3A_34 = arith.constant 15 : i32
    %and3A_35 = vector.broadcast %and3A_34 : i32 to vector<16xi32>
    %and3A_36 = arith.andi %add3A_33, %and3A_35 : vector<16xi32>
    %add3A_37 = arith.addi %mul3A_24, %and3A_36 : vector<16xi32>
    %add3A_38 = arith.constant 2 : i32
    %add3A_39 = vector.broadcast %add3A_38 : i32 to vector<16xi32>
    %add3A_40 = arith.addi %iota3A, %add3A_39 : vector<16xi32>
    %and3A_41 = arith.constant 15 : i32
    %and3A_42 = vector.broadcast %and3A_41 : i32 to vector<16xi32>
    %and3A_43 = arith.andi %add3A_40, %and3A_42 : vector<16xi32>
    %add3A_44 = arith.addi %mul3A_24, %and3A_43 : vector<16xi32>
    %add3A_45 = arith.constant 3 : i32
    %add3A_46 = vector.broadcast %add3A_45 : i32 to vector<16xi32>
    %add3A_47 = arith.addi %iota3A, %add3A_46 : vector<16xi32>
    %and3A_48 = arith.constant 15 : i32
    %and3A_49 = vector.broadcast %and3A_48 : i32 to vector<16xi32>
    %and3A_50 = arith.andi %add3A_47, %and3A_49 : vector<16xi32>
    %add3A_51 = arith.addi %mul3A_24, %and3A_50 : vector<16xi32>
    %add3A_52 = arith.constant 4 : i32
    %add3A_53 = vector.broadcast %add3A_52 : i32 to vector<16xi32>
    %add3A_54 = arith.addi %iota3A, %add3A_53 : vector<16xi32>
    %and3A_55 = arith.constant 15 : i32
    %and3A_56 = vector.broadcast %and3A_55 : i32 to vector<16xi32>
    %and3A_57 = arith.andi %add3A_54, %and3A_56 : vector<16xi32>
    %add3A_58 = arith.addi %mul3A_24, %and3A_57 : vector<16xi32>
    %add3A_59 = arith.constant 5 : i32
    %add3A_60 = vector.broadcast %add3A_59 : i32 to vector<16xi32>
    %add3A_61 = arith.addi %iota3A, %add3A_60 : vector<16xi32>
    %and3A_62 = arith.constant 15 : i32
    %and3A_63 = vector.broadcast %and3A_62 : i32 to vector<16xi32>
    %and3A_64 = arith.andi %add3A_61, %and3A_63 : vector<16xi32>
    %add3A_65 = arith.addi %mul3A_24, %and3A_64 : vector<16xi32>
    %add3A_66 = arith.constant 6 : i32
    %add3A_67 = vector.broadcast %add3A_66 : i32 to vector<16xi32>
    %add3A_68 = arith.addi %iota3A, %add3A_67 : vector<16xi32>
    %and3A_69 = arith.constant 15 : i32
    %and3A_70 = vector.broadcast %and3A_69 : i32 to vector<16xi32>
    %and3A_71 = arith.andi %add3A_68, %and3A_70 : vector<16xi32>
    %add3A_72 = arith.addi %mul3A_24, %and3A_71 : vector<16xi32>
    %add3A_73 = arith.constant 7 : i32
    %add3A_74 = vector.broadcast %add3A_73 : i32 to vector<16xi32>
    %add3A_75 = arith.addi %iota3A, %add3A_74 : vector<16xi32>
    %and3A_76 = arith.constant 15 : i32
    %and3A_77 = vector.broadcast %and3A_76 : i32 to vector<16xi32>
    %and3A_78 = arith.andi %add3A_75, %and3A_77 : vector<16xi32>
    %add3A_79 = arith.addi %mul3A_24, %and3A_78 : vector<16xi32>
    %add3A_80 = arith.constant 8 : i32
    %add3A_81 = vector.broadcast %add3A_80 : i32 to vector<16xi32>
    %add3A_82 = arith.addi %iota3A, %add3A_81 : vector<16xi32>
    %and3A_83 = arith.constant 15 : i32
    %and3A_84 = vector.broadcast %and3A_83 : i32 to vector<16xi32>
    %and3A_85 = arith.andi %add3A_82, %and3A_84 : vector<16xi32>
    %add3A_86 = arith.addi %mul3A_24, %and3A_85 : vector<16xi32>
    %add3A_87 = arith.constant 9 : i32
    %add3A_88 = vector.broadcast %add3A_87 : i32 to vector<16xi32>
    %add3A_89 = arith.addi %iota3A, %add3A_88 : vector<16xi32>
    %and3A_90 = arith.constant 15 : i32
    %and3A_91 = vector.broadcast %and3A_90 : i32 to vector<16xi32>
    %and3A_92 = arith.andi %add3A_89, %and3A_91 : vector<16xi32>
    %add3A_93 = arith.addi %mul3A_24, %and3A_92 : vector<16xi32>
    %add3A_94 = arith.constant 10 : i32
    %add3A_95 = vector.broadcast %add3A_94 : i32 to vector<16xi32>
    %add3A_96 = arith.addi %iota3A, %add3A_95 : vector<16xi32>
    %and3A_97 = arith.constant 15 : i32
    %and3A_98 = vector.broadcast %and3A_97 : i32 to vector<16xi32>
    %and3A_99 = arith.andi %add3A_96, %and3A_98 : vector<16xi32>
    %add3A_100 = arith.addi %mul3A_24, %and3A_99 : vector<16xi32>
    %add3A_101 = arith.constant 11 : i32
    %add3A_102 = vector.broadcast %add3A_101 : i32 to vector<16xi32>
    %add3A_103 = arith.addi %iota3A, %add3A_102 : vector<16xi32>
    %and3A_104 = arith.constant 15 : i32
    %and3A_105 = vector.broadcast %and3A_104 : i32 to vector<16xi32>
    %and3A_106 = arith.andi %add3A_103, %and3A_105 : vector<16xi32>
    %add3A_107 = arith.addi %mul3A_24, %and3A_106 : vector<16xi32>
    %add3A_108 = arith.constant 12 : i32
    %add3A_109 = vector.broadcast %add3A_108 : i32 to vector<16xi32>
    %add3A_110 = arith.addi %iota3A, %add3A_109 : vector<16xi32>
    %and3A_111 = arith.constant 15 : i32
    %and3A_112 = vector.broadcast %and3A_111 : i32 to vector<16xi32>
    %and3A_113 = arith.andi %add3A_110, %and3A_112 : vector<16xi32>
    %add3A_114 = arith.addi %mul3A_24, %and3A_113 : vector<16xi32>
    %add3A_115 = arith.constant 13 : i32
    %add3A_116 = vector.broadcast %add3A_115 : i32 to vector<16xi32>
    %add3A_117 = arith.addi %iota3A, %add3A_116 : vector<16xi32>
    %and3A_118 = arith.constant 15 : i32
    %and3A_119 = vector.broadcast %and3A_118 : i32 to vector<16xi32>
    %and3A_120 = arith.andi %add3A_117, %and3A_119 : vector<16xi32>
    %add3A_121 = arith.addi %mul3A_24, %and3A_120 : vector<16xi32>
    %add3A_122 = arith.constant 14 : i32
    %add3A_123 = vector.broadcast %add3A_122 : i32 to vector<16xi32>
    %add3A_124 = arith.addi %iota3A, %add3A_123 : vector<16xi32>
    %and3A_125 = arith.constant 15 : i32
    %and3A_126 = vector.broadcast %and3A_125 : i32 to vector<16xi32>
    %and3A_127 = arith.andi %add3A_124, %and3A_126 : vector<16xi32>
    %add3A_128 = arith.addi %mul3A_24, %and3A_127 : vector<16xi32>
    %add3A_129 = arith.constant 15 : i32
    %add3A_130 = vector.broadcast %add3A_129 : i32 to vector<16xi32>
    %add3A_131 = arith.addi %iota3A, %add3A_130 : vector<16xi32>
    %and3A_132 = arith.constant 15 : i32
    %and3A_133 = vector.broadcast %and3A_132 : i32 to vector<16xi32>
    %and3A_134 = arith.andi %add3A_131, %and3A_133 : vector<16xi32>
    %add3A_135 = arith.addi %mul3A_24, %and3A_134 : vector<16xi32>
    %scan3A_136 = arith.constant 0 : i32
    %scan3A_137 = arith.constant 0 : i32
    %scan3A_138 = arith.constant 60 : i32
    %scan3A_139 = arith.addi %scan3A_137, %scan3A_138 : i32
    %scan3A_140 = arith.constant 1 : i32
    scf.for %scan3A_166 = %scan3A_137 to %scan3A_139 step %scan3A_140  : i32 {
      %add3A_167 = vector.broadcast %scan3A_166 : i32 to vector<16xi32>
      %add3A_168 = arith.addi %mul3A_3, %add3A_167 : vector<16xi32>
      %gather3A_169 = tpu.vector_load_idx %arg6[%add3A_168] : memref<976xf32, #tpu.memory_space<vmem>>[vector<16xi32>], vector<16xf32>,
      %add3A_170 = vector.broadcast %scan3A_166 : i32 to vector<16xi32>
      %add3A_171 = arith.addi %mul3A_3, %add3A_170 : vector<16xi32>
      %gather3A_172 = tpu.vector_load_idx %arg7[%add3A_171] : memref<976xf32, #tpu.memory_space<vmem>>[vector<16xi32>], vector<16xf32>,
      %sub3A_173 = arith.constant 30 : i32
      %sub3A_174 = arith.subi %scan3A_166, %sub3A_173 : i32
      %convert_element_type3A = arith.sitofp %sub3A_174 : i32 to f32
      %add3A_175 = arith.addf %gather3A_169, %mul3A_21 : vector<16xf32>
      %mul3A_176 = vector.broadcast %convert_element_type3A : f32 to vector<16xf32>
      %mul3A_177 = arith.mulf %mul3A_176, %gather3A_172 : vector<16xf32>
      %sub3A_178 = arith.subf %add3A_175, %mul3A_177 : vector<16xf32>
      %mul3A_179 = arith.constant 16 : i32
      %mul3A_180 = arith.muli %mul3A_179, %scan3A_166 : i32
      %add3A_181 = vector.broadcast %mul3A_180 : i32 to vector<16xi32>
      %add3A_182 = arith.addi %add3A_181, %add3A_30 : vector<16xi32>
      tpu.vector_store_idx %arg8[%add3A_182], %sub3A_178 : memref<15616xf32, #tpu.memory_space<vmem>>[vector<16xi32>], vector<16xf32>,
      tpu.vector_store_idx %arg9[%add3A_182], %gather3A_172 : memref<15616xf32, #tpu.memory_space<vmem>>[vector<16xi32>], vector<16xf32>,
      %add3A_183 = vector.broadcast %mul3A_180 : i32 to vector<16xi32>
      %add3A_184 = arith.addi %add3A_183, %add3A_37 : vector<16xi32>
      tpu.vector_store_idx %arg8[%add3A_184], %sub3A_178 : memref<15616xf32, #tpu.memory_space<vmem>>[vector<16xi32>], vector<16xf32>,
      tpu.vector_store_idx %arg9[%add3A_184], %gather3A_172 : memref<15616xf32, #tpu.memory_space<vmem>>[vector<16xi32>], vector<16xf32>,
      %add3A_185 = vector.broadcast %mul3A_180 : i32 to vector<16xi32>
      %add3A_186 = arith.addi %add3A_185, %add3A_44 : vector<16xi32>
      tpu.vector_store_idx %arg8[%add3A_186], %sub3A_178 : memref<15616xf32, #tpu.memory_space<vmem>>[vector<16xi32>], vector<16xf32>,
      tpu.vector_store_idx %arg9[%add3A_186], %gather3A_172 : memref<15616xf32, #tpu.memory_space<vmem>>[vector<16xi32>], vector<16xf32>,
      %add3A_187 = vector.broadcast %mul3A_180 : i32 to vector<16xi32>
      %add3A_188 = arith.addi %add3A_187, %add3A_51 : vector<16xi32>
      tpu.vector_store_idx %arg8[%add3A_188], %sub3A_178 : memref<15616xf32, #tpu.memory_space<vmem>>[vector<16xi32>], vector<16xf32>,
      tpu.vector_store_idx %arg9[%add3A_188], %gather3A_172 : memref<15616xf32, #tpu.memory_space<vmem>>[vector<16xi32>], vector<16xf32>,
      %add3A_189 = vector.broadcast %mul3A_180 : i32 to vector<16xi32>
      %add3A_190 = arith.addi %add3A_189, %add3A_58 : vector<16xi32>
      tpu.vector_store_idx %arg8[%add3A_190], %sub3A_178 : memref<15616xf32, #tpu.memory_space<vmem>>[vector<16xi32>], vector<16xf32>,
      tpu.vector_store_idx %arg9[%add3A_190], %gather3A_172 : memref<15616xf32, #tpu.memory_space<vmem>>[vector<16xi32>], vector<16xf32>,
      %add3A_191 = vector.broadcast %mul3A_180 : i32 to vector<16xi32>
      %add3A_192 = arith.addi %add3A_191, %add3A_65 : vector<16xi32>
      tpu.vector_store_idx %arg8[%add3A_192], %sub3A_178 : memref<15616xf32, #tpu.memory_space<vmem>>[vector<16xi32>], vector<16xf32>,
      tpu.vector_store_idx %arg9[%add3A_192], %gather3A_172 : memref<15616xf32, #tpu.memory_space<vmem>>[vector<16xi32>], vector<16xf32>,
      %add3A_193 = vector.broadcast %mul3A_180 : i32 to vector<16xi32>
      %add3A_194 = arith.addi %add3A_193, %add3A_72 : vector<16xi32>
      tpu.vector_store_idx %arg8[%add3A_194], %sub3A_178 : memref<15616xf32, #tpu.memory_space<vmem>>[vector<16xi32>], vector<16xf32>,
      tpu.vector_store_idx %arg9[%add3A_194], %gather3A_172 : memref<15616xf32, #tpu.memory_space<vmem>>[vector<16xi32>], vector<16xf32>,
      %add3A_195 = vector.broadcast %mul3A_180 : i32 to vector<16xi32>
      %add3A_196 = arith.addi %add3A_195, %add3A_79 : vector<16xi32>
      tpu.vector_store_idx %arg8[%add3A_196], %sub3A_178 : memref<15616xf32, #tpu.memory_space<vmem>>[vector<16xi32>], vector<16xf32>,
      tpu.vector_store_idx %arg9[%add3A_196], %gather3A_172 : memref<15616xf32, #tpu.memory_space<vmem>>[vector<16xi32>], vector<16xf32>,
      %add3A_197 = vector.broadcast %mul3A_180 : i32 to vector<16xi32>
      %add3A_198 = arith.addi %add3A_197, %add3A_86 : vector<16xi32>
      tpu.vector_store_idx %arg8[%add3A_198], %sub3A_178 : memref<15616xf32, #tpu.memory_space<vmem>>[vector<16xi32>], vector<16xf32>,
      tpu.vector_store_idx %arg9[%add3A_198], %gather3A_172 : memref<15616xf32, #tpu.memory_space<vmem>>[vector<16xi32>], vector<16xf32>,
      %add3A_199 = vector.broadcast %mul3A_180 : i32 to vector<16xi32>
      %add3A_200 = arith.addi %add3A_199, %add3A_93 : vector<16xi32>
      tpu.vector_store_idx %arg8[%add3A_200], %sub3A_178 : memref<15616xf32, #tpu.memory_space<vmem>>[vector<16xi32>], vector<16xf32>,
      tpu.vector_store_idx %arg9[%add3A_200], %gather3A_172 : memref<15616xf32, #tpu.memory_space<vmem>>[vector<16xi32>], vector<16xf32>,
      %add3A_201 = vector.broadcast %mul3A_180 : i32 to vector<16xi32>
      %add3A_202 = arith.addi %add3A_201, %add3A_100 : vector<16xi32>
      tpu.vector_store_idx %arg8[%add3A_202], %sub3A_178 : memref<15616xf32, #tpu.memory_space<vmem>>[vector<16xi32>], vector<16xf32>,
      tpu.vector_store_idx %arg9[%add3A_202], %gather3A_172 : memref<15616xf32, #tpu.memory_space<vmem>>[vector<16xi32>], vector<16xf32>,
      %add3A_203 = vector.broadcast %mul3A_180 : i32 to vector<16xi32>
      %add3A_204 = arith.addi %add3A_203, %add3A_107 : vector<16xi32>
      tpu.vector_store_idx %arg8[%add3A_204], %sub3A_178 : memref<15616xf32, #tpu.memory_space<vmem>>[vector<16xi32>], vector<16xf32>,
      tpu.vector_store_idx %arg9[%add3A_204], %gather3A_172 : memref<15616xf32, #tpu.memory_space<vmem>>[vector<16xi32>], vector<16xf32>,
      %add3A_205 = vector.broadcast %mul3A_180 : i32 to vector<16xi32>
      %add3A_206 = arith.addi %add3A_205, %add3A_114 : vector<16xi32>
      tpu.vector_store_idx %arg8[%add3A_206], %sub3A_178 : memref<15616xf32, #tpu.memory_space<vmem>>[vector<16xi32>], vector<16xf32>,
      tpu.vector_store_idx %arg9[%add3A_206], %gather3A_172 : memref<15616xf32, #tpu.memory_space<vmem>>[vector<16xi32>], vector<16xf32>,
      %add3A_207 = vector.broadcast %mul3A_180 : i32 to vector<16xi32>
      %add3A_208 = arith.addi %add3A_207, %add3A_121 : vector<16xi32>
      tpu.vector_store_idx %arg8[%add3A_208], %sub3A_178 : memref<15616xf32, #tpu.memory_space<vmem>>[vector<16xi32>], vector<16xf32>,
      tpu.vector_store_idx %arg9[%add3A_208], %gather3A_172 : memref<15616xf32, #tpu.memory_space<vmem>>[vector<16xi32>], vector<16xf32>,
      %add3A_209 = vector.broadcast %mul3A_180 : i32 to vector<16xi32>
      %add3A_210 = arith.addi %add3A_209, %add3A_128 : vector<16xi32>
      tpu.vector_store_idx %arg8[%add3A_210], %sub3A_178 : memref<15616xf32, #tpu.memory_space<vmem>>[vector<16xi32>], vector<16xf32>,
      tpu.vector_store_idx %arg9[%add3A_210], %gather3A_172 : memref<15616xf32, #tpu.memory_space<vmem>>[vector<16xi32>], vector<16xf32>,
      %add3A_211 = vector.broadcast %mul3A_180 : i32 to vector<16xi32>
      %add3A_212 = arith.addi %add3A_211, %add3A_135 : vector<16xi32>
      tpu.vector_store_idx %arg8[%add3A_212], %sub3A_178 : memref<15616xf32, #tpu.memory_space<vmem>>[vector<16xi32>], vector<16xf32>,
      tpu.vector_store_idx %arg9[%add3A_212], %gather3A_172 : memref<15616xf32, #tpu.memory_space<vmem>>[vector<16xi32>], vector<16xf32>,
    }
    %scan3A_141 = arith.constant 60 : i32
    %scan3A_142 = arith.constant 0 : i32
    %scan3A_143 = arith.constant 1.500000e+01 : f32
    %scan3A_144 = arith.constant -29.9999981 : f32
    %scan3A_145 = arith.constant 2.875000e+01 : f32
    %scan3A_146 = arith.constant 0 : i32
    %scan3A_147 = arith.constant 8 : i32
    %scan3A_148 = arith.addi %scan3A_146, %scan3A_147 : i32
    %scan3A_149 = arith.constant 1 : i32
    scf.for %scan3A_166 = %scan3A_146 to %scan3A_148 step %scan3A_149  : i32 {
      %mul3A_167 = arith.constant 2 : i32
      %mul3A_168 = arith.muli %mul3A_167, %scan3A_166 : i32
      %add3A_169 = arith.constant 1 : i32
      %add3A_170 = arith.addi %mul3A_168, %add3A_169 : i32
      %add3A_171 = arith.addi %mul3A_5, %add3A_170 : i32
      %dma_start3A_172 = arith.constant 0 : i32
      %dma_start3A_173 = tpu.memref_slice %arg2[%add3A_171, %dma_start3A_172] : memref<512x16384xf32, #tpu.memory_space<hbm>> -> memref<1x16384xf32, #tpu.memory_space<hbm>>
      %dma_start3A_174 = tpu.memref_squeeze %dma_start3A_173 : memref<1x16384xf32, #tpu.memory_space<hbm>> -> memref<16384xf32, #tpu.memory_space<hbm>>
      %dma_start3A_175 = arith.constant 0 : i32
      %dma_start3A_176 = tpu.memref_slice %arg2[%add3A_171, %dma_start3A_175] : memref<512x16384xf32, #tpu.memory_space<hbm>> -> memref<1x16384xf32, #tpu.memory_space<hbm>>
      %dma_start3A_177 = tpu.memref_squeeze %dma_start3A_176 : memref<1x16384xf32, #tpu.memory_space<hbm>> -> memref<16384xf32, #tpu.memory_space<hbm>>
      tpu.enqueue_dma source(%dma_start3A_177 : memref<16384xf32, #tpu.memory_space<hbm>>) target(%arg11 : memref<16384xf32, #tpu.memory_space<vmem>>) target_semaphore(%arg15 : memref<!tpu.dma_semaphore, #tpu.memory_space<semaphore_mem>>)
      %add3A_178 = arith.addi %mul3A_5, %mul3A_168 : i32
      %dma_wait3A_179 = arith.constant 0 : i32
      %dma_wait3A_180 = tpu.memref_slice %arg2[%add3A_178, %dma_wait3A_179] : memref<512x16384xf32, #tpu.memory_space<hbm>> -> memref<1x16384xf32, #tpu.memory_space<hbm>>
      %dma_wait3A_181 = tpu.memref_squeeze %dma_wait3A_180 : memref<1x16384xf32, #tpu.memory_space<hbm>> -> memref<16384xf32, #tpu.memory_space<hbm>>
      %dma_wait3A_182 = arith.constant 0 : i32
      %dma_wait3A_183 = tpu.memref_slice %arg2[%add3A_178, %dma_wait3A_182] : memref<512x16384xf32, #tpu.memory_space<hbm>> -> memref<1x16384xf32, #tpu.memory_space<hbm>>
      %dma_wait3A_184 = tpu.memref_squeeze %dma_wait3A_183 : memref<1x16384xf32, #tpu.memory_space<hbm>> -> memref<16384xf32, #tpu.memory_space<hbm>>
      tpu.wait_dma2 semaphore(%arg14 : memref<!tpu.dma_semaphore, #tpu.memory_space<semaphore_mem>>) src(%dma_wait3A_184 : memref<16384xf32, #tpu.memory_space<hbm>>) dst(%arg10 : memref<16384xf32, #tpu.memory_space<vmem>>)
      %gt3A = arith.constant 0 : i32
      %gt3A_185 = arith.cmpi sgt, %scan3A_166, %gt3A : i32
      %convert_element_type3A = arith.extui %gt3A_185 : i1 to i32
      %cond3A = arith.constant 0 : i32
      %cond3A_186 = arith.cmpi ne, %convert_element_type3A, %cond3A : i32
      scf.if %cond3A_186 {
        %add3A_238 = arith.addi %mul3A_5, %mul3A_168 : i32
        %dma_wait3A_239 = arith.constant 0 : i32
        %dma_wait3A_240 = tpu.memref_slice %arg4[%add3A_238, %dma_wait3A_239] : memref<512x16384xf32, #tpu.memory_space<hbm>> -> memref<1x16384xf32, #tpu.memory_space<hbm>>
        %dma_wait3A_241 = tpu.memref_squeeze %dma_wait3A_240 : memref<1x16384xf32, #tpu.memory_space<hbm>> -> memref<16384xf32, #tpu.memory_space<hbm>>
        %dma_wait3A_242 = arith.constant 0 : i32
        %dma_wait3A_243 = tpu.memref_slice %arg4[%add3A_238, %dma_wait3A_242] : memref<512x16384xf32, #tpu.memory_space<hbm>> -> memref<1x16384xf32, #tpu.memory_space<hbm>>
        %dma_wait3A_244 = tpu.memref_squeeze %dma_wait3A_243 : memref<1x16384xf32, #tpu.memory_space<hbm>> -> memref<16384xf32, #tpu.memory_space<hbm>>
        tpu.wait_dma2 semaphore(%arg16 : memref<!tpu.dma_semaphore, #tpu.memory_space<semaphore_mem>>) src(%arg12 : memref<16384xf32, #tpu.memory_space<vmem>>) dst(%dma_wait3A_244 : memref<16384xf32, #tpu.memory_space<hbm>>)
      } else {
      }
      %mul3A_187 = arith.constant 976 : i32
      %mul3A_188 = arith.muli %mul3A_168, %mul3A_187 : i32
      %add3A_189 = arith.constant -1568 : i32
      %add3A_190 = arith.addi %mul3A_188, %add3A_189 : i32
      %add3A_191 = arith.constant 1342177280 : i32
      %add3A_192 = arith.addi %add3A_190, %add3A_191 : i32
      %add3A_193 = vector.broadcast %add3A_192 : i32 to vector<16xi32>
      %add3A_194 = arith.addi %iota3A, %add3A_193 : vector<16xi32>
      %parallel_loop3A = arith.constant 0 : i32
      %parallel_loop3A_195 = arith.constant 16384 : i32
      %parallel_loop3A_196 = arith.constant 16 : i32
      scf.for %parallel_loop3A_238 = %parallel_loop3A to %parallel_loop3A_195 step %parallel_loop3A_196  : i32 {
        %parallel_loop3A_239 = arith.index_cast %parallel_loop3A_238 : i32 to index
        %parallel_loop3A_240 = tpu.vector_load %arg10[%parallel_loop3A_239] {strides = array<i32>} : memref<16384xf32, #tpu.memory_space<vmem>>, vector<16xf32>,
        %parallel_loop3A_241 = vector.broadcast %scan3A_143 : f32 to vector<16xf32>
        %parallel_loop3A_242 = arith.mulf %parallel_loop3A_240, %parallel_loop3A_241 : vector<16xf32>
        %parallel_loop3A_243 = vector.broadcast %scan3A_144 : f32 to vector<16xf32>
        %parallel_loop3A_244 = arith.maximumf %parallel_loop3A_242, %parallel_loop3A_243 : vector<16xf32>
        %parallel_loop3A_245 = vector.broadcast %scan3A_145 : f32 to vector<16xf32>
        %parallel_loop3A_246 = arith.minimumf %parallel_loop3A_244, %parallel_loop3A_245 : vector<16xf32>
        %parallel_loop3A_247 = arith.constant 1.275000e+02 : f32
        %parallel_loop3A_248 = vector.broadcast %parallel_loop3A_247 : f32 to vector<16xf32>
        %parallel_loop3A_249 = arith.addf %parallel_loop3A_246, %parallel_loop3A_248 : vector<16xf32>
        %parallel_loop3A_250 = arith.constant 0x4B000000 : f32
        %parallel_loop3A_251 = vector.broadcast %parallel_loop3A_250 : f32 to vector<16xf32>
        %parallel_loop3A_252 = arith.addf %parallel_loop3A_249, %parallel_loop3A_251 : vector<16xf32>
        %parallel_loop3A_253 = vector.bitcast %parallel_loop3A_252 : vector<16xf32> to vector<16xi32>
        %parallel_loop3A_254 = arith.constant 4 : i32
        %parallel_loop3A_255 = vector.broadcast %parallel_loop3A_254 : i32 to vector<16xi32>
        %parallel_loop3A_256 = arith.shli %parallel_loop3A_253, %parallel_loop3A_255 : vector<16xi32>
        %parallel_loop3A_257 = arith.addi %parallel_loop3A_256, %add3A_194 : vector<16xi32>
        %parallel_loop3A_258 = tpu.vector_load_idx %arg8[%parallel_loop3A_257] : memref<15616xf32, #tpu.memory_space<vmem>>[vector<16xi32>], vector<16xf32>,
        %parallel_loop3A_259 = tpu.vector_load_idx %arg9[%parallel_loop3A_257] : memref<15616xf32, #tpu.memory_space<vmem>>[vector<16xi32>], vector<16xf32>,
        %parallel_loop3A_260 = arith.mulf %parallel_loop3A_242, %parallel_loop3A_259 : vector<16xf32>
        %parallel_loop3A_261 = arith.addf %parallel_loop3A_258, %parallel_loop3A_260 : vector<16xf32>
        %parallel_loop3A_262 = arith.index_cast %parallel_loop3A_238 : i32 to index
        %parallel_loop3A_263 = tpu.vector_load %arg12[%parallel_loop3A_262] {strides = array<i32>} : memref<16384xf32, #tpu.memory_space<vmem>>, vector<16xf32>,
        tpu.vector_store %arg12[%parallel_loop3A_262], %parallel_loop3A_261 {strides = array<i32>} : memref<16384xf32, #tpu.memory_space<vmem>>, vector<16xf32>,
      } {sc.loop_unroll_factor = 4 : i64, sc.parallel_access}
      %add3A_197 = arith.addi %mul3A_5, %mul3A_168 : i32
      %dma_start3A_198 = arith.constant 0 : i32
      %dma_start3A_199 = tpu.memref_slice %arg4[%add3A_197, %dma_start3A_198] : memref<512x16384xf32, #tpu.memory_space<hbm>> -> memref<1x16384xf32, #tpu.memory_space<hbm>>
      %dma_start3A_200 = tpu.memref_squeeze %dma_start3A_199 : memref<1x16384xf32, #tpu.memory_space<hbm>> -> memref<16384xf32, #tpu.memory_space<hbm>>
      %dma_start3A_201 = arith.constant 0 : i32
      %dma_start3A_202 = tpu.memref_slice %arg4[%add3A_197, %dma_start3A_201] : memref<512x16384xf32, #tpu.memory_space<hbm>> -> memref<1x16384xf32, #tpu.memory_space<hbm>>
      %dma_start3A_203 = tpu.memref_squeeze %dma_start3A_202 : memref<1x16384xf32, #tpu.memory_space<hbm>> -> memref<16384xf32, #tpu.memory_space<hbm>>
      tpu.enqueue_dma source(%arg12 : memref<16384xf32, #tpu.memory_space<vmem>>) target(%dma_start3A_203 : memref<16384xf32, #tpu.memory_space<hbm>>) target_semaphore(%arg16 : memref<!tpu.dma_semaphore, #tpu.memory_space<semaphore_mem>>)
      %lt3A = arith.constant 7 : i32
      %lt3A_204 = arith.cmpi slt, %scan3A_166, %lt3A : i32
      %convert_element_type3A_205 = arith.extui %lt3A_204 : i1 to i32
      %cond3A_206 = arith.constant 0 : i32
      %cond3A_207 = arith.cmpi ne, %convert_element_type3A_205, %cond3A_206 : i32
      scf.if %cond3A_207 {
        %add3A_238 = arith.constant 2 : i32
        %add3A_239 = arith.addi %mul3A_168, %add3A_238 : i32
        %add3A_240 = arith.addi %mul3A_5, %add3A_239 : i32
        %dma_start3A_241 = arith.constant 0 : i32
        %dma_start3A_242 = tpu.memref_slice %arg2[%add3A_240, %dma_start3A_241] : memref<512x16384xf32, #tpu.memory_space<hbm>> -> memref<1x16384xf32, #tpu.memory_space<hbm>>
        %dma_start3A_243 = tpu.memref_squeeze %dma_start3A_242 : memref<1x16384xf32, #tpu.memory_space<hbm>> -> memref<16384xf32, #tpu.memory_space<hbm>>
        %dma_start3A_244 = arith.constant 0 : i32
        %dma_start3A_245 = tpu.memref_slice %arg2[%add3A_240, %dma_start3A_244] : memref<512x16384xf32, #tpu.memory_space<hbm>> -> memref<1x16384xf32, #tpu.memory_space<hbm>>
        %dma_start3A_246 = tpu.memref_squeeze %dma_start3A_245 : memref<1x16384xf32, #tpu.memory_space<hbm>> -> memref<16384xf32, #tpu.memory_space<hbm>>
        tpu.enqueue_dma source(%dma_start3A_246 : memref<16384xf32, #tpu.memory_space<hbm>>) target(%arg10 : memref<16384xf32, #tpu.memory_space<vmem>>) target_semaphore(%arg14 : memref<!tpu.dma_semaphore, #tpu.memory_space<semaphore_mem>>)
      } else {
      }
      %add3A_208 = arith.addi %mul3A_5, %add3A_170 : i32
      %dma_wait3A_209 = arith.constant 0 : i32
      %dma_wait3A_210 = tpu.memref_slice %arg2[%add3A_208, %dma_wait3A_209] : memref<512x16384xf32, #tpu.memory_space<hbm>> -> memref<1x16384xf32, #tpu.memory_space<hbm>>
      %dma_wait3A_211 = tpu.memref_squeeze %dma_wait3A_210 : memref<1x16384xf32, #tpu.memory_space<hbm>> -> memref<16384xf32, #tpu.memory_space<hbm>>
      %dma_wait3A_212 = arith.constant 0 : i32
      %dma_wait3A_213 = tpu.memref_slice %arg2[%add3A_208, %dma_wait3A_212] : memref<512x16384xf32, #tpu.memory_space<hbm>> -> memref<1x16384xf32, #tpu.memory_space<hbm>>
      %dma_wait3A_214 = tpu.memref_squeeze %dma_wait3A_213 : memref<1x16384xf32, #tpu.memory_space<hbm>> -> memref<16384xf32, #tpu.memory_space<hbm>>
      tpu.wait_dma2 semaphore(%arg15 : memref<!tpu.dma_semaphore, #tpu.memory_space<semaphore_mem>>) src(%dma_wait3A_214 : memref<16384xf32, #tpu.memory_space<hbm>>) dst(%arg11 : memref<16384xf32, #tpu.memory_space<vmem>>)
      %gt3A_215 = arith.constant 0 : i32
      %gt3A_216 = arith.cmpi sgt, %scan3A_166, %gt3A_215 : i32
      %convert_element_type3A_217 = arith.extui %gt3A_216 : i1 to i32
      %cond3A_218 = arith.constant 0 : i32
      %cond3A_219 = arith.cmpi ne, %convert_element_type3A_217, %cond3A_218 : i32
      scf.if %cond3A_219 {
        %add3A_238 = arith.addi %mul3A_5, %add3A_170 : i32
        %dma_wait3A_239 = arith.constant 0 : i32
        %dma_wait3A_240 = tpu.memref_slice %arg4[%add3A_238, %dma_wait3A_239] : memref<512x16384xf32, #tpu.memory_space<hbm>> -> memref<1x16384xf32, #tpu.memory_space<hbm>>
        %dma_wait3A_241 = tpu.memref_squeeze %dma_wait3A_240 : memref<1x16384xf32, #tpu.memory_space<hbm>> -> memref<16384xf32, #tpu.memory_space<hbm>>
        %dma_wait3A_242 = arith.constant 0 : i32
        %dma_wait3A_243 = tpu.memref_slice %arg4[%add3A_238, %dma_wait3A_242] : memref<512x16384xf32, #tpu.memory_space<hbm>> -> memref<1x16384xf32, #tpu.memory_space<hbm>>
        %dma_wait3A_244 = tpu.memref_squeeze %dma_wait3A_243 : memref<1x16384xf32, #tpu.memory_space<hbm>> -> memref<16384xf32, #tpu.memory_space<hbm>>
        tpu.wait_dma2 semaphore(%arg17 : memref<!tpu.dma_semaphore, #tpu.memory_space<semaphore_mem>>) src(%arg13 : memref<16384xf32, #tpu.memory_space<vmem>>) dst(%dma_wait3A_244 : memref<16384xf32, #tpu.memory_space<hbm>>)
      } else {
      }
      %mul3A_220 = arith.constant 976 : i32
      %mul3A_221 = arith.muli %add3A_170, %mul3A_220 : i32
      %add3A_222 = arith.constant -1568 : i32
      %add3A_223 = arith.addi %mul3A_221, %add3A_222 : i32
      %add3A_224 = arith.constant 1342177280 : i32
      %add3A_225 = arith.addi %add3A_223, %add3A_224 : i32
      %add3A_226 = vector.broadcast %add3A_225 : i32 to vector<16xi32>
      %add3A_227 = arith.addi %iota3A, %add3A_226 : vector<16xi32>
      %parallel_loop3A_228 = arith.constant 0 : i32
      %parallel_loop3A_229 = arith.constant 16384 : i32
      %parallel_loop3A_230 = arith.constant 16 : i32
      scf.for %parallel_loop3A_238 = %parallel_loop3A_228 to %parallel_loop3A_229 step %parallel_loop3A_230  : i32 {
        %parallel_loop3A_239 = arith.index_cast %parallel_loop3A_238 : i32 to index
        %parallel_loop3A_240 = tpu.vector_load %arg11[%parallel_loop3A_239] {strides = array<i32>} : memref<16384xf32, #tpu.memory_space<vmem>>, vector<16xf32>,
        %parallel_loop3A_241 = vector.broadcast %scan3A_143 : f32 to vector<16xf32>
        %parallel_loop3A_242 = arith.mulf %parallel_loop3A_240, %parallel_loop3A_241 : vector<16xf32>
        %parallel_loop3A_243 = vector.broadcast %scan3A_144 : f32 to vector<16xf32>
        %parallel_loop3A_244 = arith.maximumf %parallel_loop3A_242, %parallel_loop3A_243 : vector<16xf32>
        %parallel_loop3A_245 = vector.broadcast %scan3A_145 : f32 to vector<16xf32>
        %parallel_loop3A_246 = arith.minimumf %parallel_loop3A_244, %parallel_loop3A_245 : vector<16xf32>
        %parallel_loop3A_247 = arith.constant 1.275000e+02 : f32
        %parallel_loop3A_248 = vector.broadcast %parallel_loop3A_247 : f32 to vector<16xf32>
        %parallel_loop3A_249 = arith.addf %parallel_loop3A_246, %parallel_loop3A_248 : vector<16xf32>
        %parallel_loop3A_250 = arith.constant 0x4B000000 : f32
        %parallel_loop3A_251 = vector.broadcast %parallel_loop3A_250 : f32 to vector<16xf32>
        %parallel_loop3A_252 = arith.addf %parallel_loop3A_249, %parallel_loop3A_251 : vector<16xf32>
        %parallel_loop3A_253 = vector.bitcast %parallel_loop3A_252 : vector<16xf32> to vector<16xi32>
        %parallel_loop3A_254 = arith.constant 4 : i32
        %parallel_loop3A_255 = vector.broadcast %parallel_loop3A_254 : i32 to vector<16xi32>
        %parallel_loop3A_256 = arith.shli %parallel_loop3A_253, %parallel_loop3A_255 : vector<16xi32>
        %parallel_loop3A_257 = arith.addi %parallel_loop3A_256, %add3A_227 : vector<16xi32>
        %parallel_loop3A_258 = tpu.vector_load_idx %arg8[%parallel_loop3A_257] : memref<15616xf32, #tpu.memory_space<vmem>>[vector<16xi32>], vector<16xf32>,
        %parallel_loop3A_259 = tpu.vector_load_idx %arg9[%parallel_loop3A_257] : memref<15616xf32, #tpu.memory_space<vmem>>[vector<16xi32>], vector<16xf32>,
        %parallel_loop3A_260 = arith.mulf %parallel_loop3A_242, %parallel_loop3A_259 : vector<16xf32>
        %parallel_loop3A_261 = arith.addf %parallel_loop3A_258, %parallel_loop3A_260 : vector<16xf32>
        %parallel_loop3A_262 = arith.index_cast %parallel_loop3A_238 : i32 to index
        %parallel_loop3A_263 = tpu.vector_load %arg13[%parallel_loop3A_262] {strides = array<i32>} : memref<16384xf32, #tpu.memory_space<vmem>>, vector<16xf32>,
        tpu.vector_store %arg13[%parallel_loop3A_262], %parallel_loop3A_261 {strides = array<i32>} : memref<16384xf32, #tpu.memory_space<vmem>>, vector<16xf32>,
      } {sc.loop_unroll_factor = 4 : i64, sc.parallel_access}
      %add3A_231 = arith.addi %mul3A_5, %add3A_170 : i32
      %dma_start3A_232 = arith.constant 0 : i32
      %dma_start3A_233 = tpu.memref_slice %arg4[%add3A_231, %dma_start3A_232] : memref<512x16384xf32, #tpu.memory_space<hbm>> -> memref<1x16384xf32, #tpu.memory_space<hbm>>
      %dma_start3A_234 = tpu.memref_squeeze %dma_start3A_233 : memref<1x16384xf32, #tpu.memory_space<hbm>> -> memref<16384xf32, #tpu.memory_space<hbm>>
      %dma_start3A_235 = arith.constant 0 : i32
      %dma_start3A_236 = tpu.memref_slice %arg4[%add3A_231, %dma_start3A_235] : memref<512x16384xf32, #tpu.memory_space<hbm>> -> memref<1x16384xf32, #tpu.memory_space<hbm>>
      %dma_start3A_237 = tpu.memref_squeeze %dma_start3A_236 : memref<1x16384xf32, #tpu.memory_space<hbm>> -> memref<16384xf32, #tpu.memory_space<hbm>>
      tpu.enqueue_dma source(%arg13 : memref<16384xf32, #tpu.memory_space<vmem>>) target(%dma_start3A_237 : memref<16384xf32, #tpu.memory_space<hbm>>) target_semaphore(%arg17 : memref<!tpu.dma_semaphore, #tpu.memory_space<semaphore_mem>>)
    }
    %scan3A_150 = arith.constant 8 : i32
    %add3A_151 = arith.constant 14 : i32
    %add3A_152 = arith.addi %mul3A_5, %add3A_151 : i32
    %dma_wait3A = arith.constant 0 : i32
    %dma_wait3A_153 = tpu.memref_slice %arg4[%add3A_152, %dma_wait3A] : memref<512x16384xf32, #tpu.memory_space<hbm>> -> memref<1x16384xf32, #tpu.memory_space<hbm>>
    %dma_wait3A_154 = tpu.memref_squeeze %dma_wait3A_153 : memref<1x16384xf32, #tpu.memory_space<hbm>> -> memref<16384xf32, #tpu.memory_space<hbm>>
    %dma_wait3A_155 = arith.constant 0 : i32
    %dma_wait3A_156 = tpu.memref_slice %arg4[%add3A_152, %dma_wait3A_155] : memref<512x16384xf32, #tpu.memory_space<hbm>> -> memref<1x16384xf32, #tpu.memory_space<hbm>>
    %dma_wait3A_157 = tpu.memref_squeeze %dma_wait3A_156 : memref<1x16384xf32, #tpu.memory_space<hbm>> -> memref<16384xf32, #tpu.memory_space<hbm>>
    tpu.wait_dma2 semaphore(%arg16 : memref<!tpu.dma_semaphore, #tpu.memory_space<semaphore_mem>>) src(%arg12 : memref<16384xf32, #tpu.memory_space<vmem>>) dst(%dma_wait3A_157 : memref<16384xf32, #tpu.memory_space<hbm>>)
    %add3A_158 = arith.constant 15 : i32
    %add3A_159 = arith.addi %mul3A_5, %add3A_158 : i32
    %dma_wait3A_160 = arith.constant 0 : i32
    %dma_wait3A_161 = tpu.memref_slice %arg4[%add3A_159, %dma_wait3A_160] : memref<512x16384xf32, #tpu.memory_space<hbm>> -> memref<1x16384xf32, #tpu.memory_space<hbm>>
    %dma_wait3A_162 = tpu.memref_squeeze %dma_wait3A_161 : memref<1x16384xf32, #tpu.memory_space<hbm>> -> memref<16384xf32, #tpu.memory_space<hbm>>
    %dma_wait3A_163 = arith.constant 0 : i32
    %dma_wait3A_164 = tpu.memref_slice %arg4[%add3A_159, %dma_wait3A_163] : memref<512x16384xf32, #tpu.memory_space<hbm>> -> memref<1x16384xf32, #tpu.memory_space<hbm>>
    %dma_wait3A_165 = tpu.memref_squeeze %dma_wait3A_164 : memref<1x16384xf32, #tpu.memory_space<hbm>> -> memref<16384xf32, #tpu.memory_space<hbm>>
    tpu.wait_dma2 semaphore(%arg17 : memref<!tpu.dma_semaphore, #tpu.memory_space<semaphore_mem>>) src(%arg13 : memref<16384xf32, #tpu.memory_space<vmem>>) dst(%dma_wait3A_165 : memref<16384xf32, #tpu.memory_space<hbm>>)
    return
  }
}

</mosaic_0001>

<sc_bundles>
// kernel: kernel.3.cloned.1.call-start
scs
__scs_entry_jumppad:
0x0: {  	(pc) =	sbr.rel $0x88, $3  }
0x1: {  	(tag) =	ssettag $0x0;
	lr =	simm.s32 $0x1  }
0x2: {  	[smem:$0x3F9F] =	sst lr;
	_ =	strace $0xD0000000  }
0x3: {  	_ = 	snop  }
0x4: {  	_ = 	snop  }
0x5: {  	_ = 	snop  }
0x6: {  	_ = 	snop  }
0x7: {  	_ = 	snop  }
__scs_overlays_trampoline_lowered:
0x8: {  	[smem:$0x3FAE] =	sst s0  }
0x9: {  	[smem:$0x3FAF] =	sst s1  }
0xa: {  	[smem:$0x3FB0] =	sst s2  }
0xb: {  	[smem:$0x3FB1] =	sst s3  }
0xc: {  	[smem:$0x3FB2] =	sst s4  }
0xd: {  	[smem:$0x3FB3] =	sst s5  }
0xe: {  	[smem:$0x3FB4] =	sst s6  }
0xf: {  	[smem:$0x3FB5] =	sst s7  }
0x10: {  	[smem:$0x3FB6] =	sst s8  }
0x11: {  	[smem:$0x3FB7] =	sst s9;
	s0 =	simm.s32 @!p0 $0x0  }
0x12: {  	s1 =	sld [smem:$0x3F9D];
	s0 =	simm.s32 @p0 $0x1  }
0x13: {  	[smem:$0x3FB8] =	sst s0;
	s0 =	simm.s32 @!p1 $0x0  }
0x14: {  	s2 =	sld [smem:$0x3F9C];
	s0 =	simm.s32 @p1 $0x1  }
0x15: {  	[smem:$0x3FB9] =	sst s0;
	s0 =	simm.s32 @!p2 $0x0  }
0x16: {  	s3 =	sld [smem:$0x3FDB];
	s0 =	simm.s32 @p2 $0x1  }
0x17: {  	s4 =	simm.s32 $0x1BF5;
	[smem:$0x3FBB] =	sst s0  }
0x18: {  	s0 =	sld [smem:$0x3F9E];
	_ =	swait.ge [sflag:s4], $0x0  }
0x19: {  	s7 =	sld [smem:$0x3F9F]  }
0x1a: {  	s8 =	sadd.s32 $0xFFFFE003, lr  }
0x1b: {  	s9 =	sadd.s32 $0xFFFFFEF7, lr;
	s5 =	simm.s32 $0xFFFFFFFF;
	p2 =	slt.u32 s8, $0xFFFFF086  }
0x1c: {  	p1 =	slt.u32 s9, $0xF7A;
	s5 =	simm.s32 @!p2 $0x0  }
0x1d: {  	s5 =	simm.s32 @p1 $0x1;
	p0 =	seq.s32 s7, s2  }
0x1e: {  	s7 =	smul.u32 @!p0 $0xF7A, s2;
	p2 =	seq.s32 @!p0 s5, $0x0  }
0x1f: {  	s9 =	smul.u32 $0xF7A, s1;
	s8 =	simm.s32 @!p0 $0x1BF5;
	p2 =	por !p2, p0  }
0x20: {  	[sflag:s8] =	ssyncset.s32 @!p0 $0xFFFFF086;
	s6 =	sadd.s32 @!p0 s3, s7;
	s7 =	simm.s32 @!p0 $0x108  }
0x21: {  	s3 =	sadd.s32 s3, s9;
	s6 =	sadd.s32 @!p0 $0x88, s6;
	s7 =	simm.s32 @p2 $0x1082  }
0x22: {  	[simem:s7], [sflag:s8] =	dma.local @!p0 [hbm:s6], $0xF7A  }
0x23: {  	s9 =	sor.u32 $0xD0000000, s2;
	s6 =	simm.s32 $0x108;
	_ =	swait.ge @!p0 [sflag:s8], $0x0  }
0x24: {  	s3 =	sadd.s32 $0x88, s3;
	s6 =	simm.s32 @!p1 $0x1082;
	[sflag:s4] =	ssyncset.s32 $0xFFFFF086  }
0x25: {  	[simem:s6], [sflag:s4] =	dma.local [hbm:s3], $0xF7A  }
0x26: {  	[smem:$0x3F9F] =	sst s1;
	(tag) =	ssettag s2;
	_ =	strace s9  }
0x27: {  	s1 =	sld [smem:$0x3FAF]  }
0x28: {  	s2 =	sld [smem:$0x3FB0]  }
0x29: {  	s4 =	sld [smem:$0x3FB2]  }
0x2a: {  	p0 =	seq.s32 s5, $0x0;
	s5 =	sld [smem:$0x3FB3]  }
0x2b: {  	s6 =	sld [smem:$0x3FB4]  }
0x2c: {  	s7 =	sld [smem:$0x3FB5]  }
0x2d: {  	s3 =	simm.s32 $0x108;
	s8 =	sld [smem:$0x3FB6]  }
0x2e: {  	s3 =	simm.s32 @!p0 $0x1082;
	s9 =	sld [smem:$0x3FB7]  }
0x2f: {  	lr =	sadd.s32 s0, s3;
	s0 =	sld [smem:$0x3FAE]  }
0x30: {  	s3 =	sld [smem:$0x3FB1]  }
0x31: {  	[smem:$0x3FBA] =	sst s10  }
0x32: {  	s10 =	sld [smem:$0x3FB8];
	_ =	sdelay $0x3  }
0x33: {  	p0 =	seq.s32 s10, $0x1;
	s10 =	sld [smem:$0x3FBA];
	_ =	sdelay $0x3  }
0x34: {  	[smem:$0x3FBA] =	sst s10  }
0x35: {  	s10 =	sld [smem:$0x3FB9];
	_ =	sdelay $0x3  }
0x36: {  	p1 =	seq.s32 s10, $0x1;
	s10 =	sld [smem:$0x3FBA];
	_ =	sdelay $0x3  }
0x37: {  	[smem:$0x3FBA] =	sst s10  }
0x38: {  	s10 =	sld [smem:$0x3FBB]  }
0x39: {  	_ = 	snop;
	(pc) =	sbr.ind lr, $3  }
0x3a: {  	_ = 	snop  }
0x3b: {  	_ = 	snop  }
0x3c: {  	p2 =	seq.s32 s10, $0x1;
	s10 =	sld [smem:$0x3FBA]  }
0x3d: {  	_ =	shalt  }
0x3e: {  	_ =	shalt  }
0x3f: {  	_ =	shalt  }
0x40: {  	_ =	shalt  }
0x41: {  	_ =	shalt  }
0x42: {  	_ =	shalt  }
0x43: {  	_ =	shalt  }
0x44: {  	_ =	shalt  }
0x45: {  	_ =	shalt  }
0x46: {  	_ =	shalt  }
0x47: {  	_ =	shalt  }
0x48: {  	_ =	shalt  }
0x49: {  	_ =	shalt  }
0x4a: {  	_ =	shalt  }
0x4b: {  	_ =	shalt  }
0x4c: {  	_ =	shalt  }
0x4d: {  	_ =	shalt  }
0x4e: {  	_ =	shalt  }
0x4f: {  	_ =	shalt  }
0x50: {  	_ =	shalt  }
0x51: {  	_ =	shalt  }
0x52: {  	_ =	shalt  }
0x53: {  	_ =	shalt  }
0x54: {  	_ =	shalt  }
0x55: {  	_ =	shalt  }
0x56: {  	_ =	shalt  }
0x57: {  	_ =	shalt  }
0x58: {  	_ =	shalt  }
0x59: {  	_ =	shalt  }
0x5a: {  	_ =	shalt  }
0x5b: {  	_ =	shalt  }
0x5c: {  	_ =	shalt  }
0x5d: {  	_ =	shalt  }
0x5e: {  	_ =	shalt  }
0x5f: {  	_ =	shalt  }
0x60: {  	_ =	shalt  }
0x61: {  	_ =	shalt  }
0x62: {  	_ =	shalt  }
0x63: {  	_ =	shalt  }
0x64: {  	_ =	shalt  }
0x65: {  	_ =	shalt  }
0x66: {  	_ =	shalt  }
0x67: {  	_ =	shalt  }
0x68: {  	_ =	shalt  }
0x69: {  	_ =	shalt  }
0x6a: {  	_ =	shalt  }
0x6b: {  	_ =	shalt  }
0x6c: {  	_ =	shalt  }
0x6d: {  	_ =	shalt  }
0x6e: {  	_ =	shalt  }
0x6f: {  	_ =	shalt  }
0x70: {  	_ =	shalt  }
0x71: {  	_ =	shalt  }
0x72: {  	_ =	shalt  }
0x73: {  	_ =	shalt  }
0x74: {  	_ =	shalt  }
0x75: {  	_ =	shalt  }
0x76: {  	_ =	shalt  }
0x77: {  	_ =	shalt  }
0x78: {  	_ =	shalt  }
0x79: {  	_ =	shalt  }
0x7a: {  	_ =	shalt  }
0x7b: {  	_ =	shalt  }
0x7c: {  	_ =	shalt  }
0x7d: {  	_ =	shalt  }
0x7e: {  	_ =	shalt  }
0x7f: {  	_ =	shalt  }
0x80: {  	_ =	shalt  }
0x81: {  	_ =	shalt  }
0x82: {  	_ =	shalt  }
0x83: {  	_ =	shalt  }
0x84: {  	_ =	shalt  }
0x85: {  	_ =	shalt  }
0x86: {  	_ =	shalt  }
0x87: {  	_ =	shalt  }
.Lfunc_end0:
.L_simem_size_0:
called_computation_lowered:
.L_overlay_start_0:
0x88: {  	s2 =	sld [smem:$0x3FD9]  }
0x89: {  	s3 =	sld [smem:$0x3FFE];
	_ =	sdelay $0x1  }
0x8a: {  	s1 =	srdreg.scid  }
0x8b: {  	s0 =	sand.u32 $0x1, s1  }
0x8c: {  	s18 =	sshll.u32 s0, $0xA;
	s2 =	sadd.s32 s3, s2  }
0x8d: {  	s2 =	sadd.s32 s2, s18  }
0x8e: {  	[smem:$0x3FC6] =	sst s2  }
0x8f: {  	_ = 	snop  }
0x90: {  	s2 =	sld [smem:$0x3FC9]  }
0x91: {  	s19 =	sld [smem:$0x3FC8]  }
0x92: {  	s4 =	sld [smem:$0x3FD0];
	(tm) =	ssettm $0x1  }
0x93: {  	s5 =	sld [smem:$0x3FFB];
	_ =	sdelay $0x3  }
0x94: {  	_ =	strace s5  }
0x95: {  	s5 =	sld [smem:$0x3FFC];
	_ =	sdelay $0x3  }
0x96: {  	_ =	strace s5  }
0x97: {  	s5 =	sld [smem:$0x3FFD];
	_ =	sdelay $0x3  }
0x98: {  	_ =	strace s5  }
0x99: {  	_ =	strace $0x8FFFFFFF  }
0x9a: {  	s20 =	sld [smem:$0x3FDB];
	_ =	sdelay $0x1  }
0x9b: {  	s6 =	simm.s32 $_scs_section_size  }
0x9c: {  	s7 =	simm.s32 $_size__tile_overlayer_lowered;
	s8 =	simm.s32 $_tile_overlayer_lowered  }
0x9d: {  	s23 =	simm.s32 $0x1BFF;
	s22 =	sshll.u32 s8, $0x1;
	s5 =	sadd.s32 s6, s20  }
0x9e: {  	s9 =	simm.s32 $0x0;
	s21 =	sshll.u32 s7, $0x1;
	s7 =	sadd.s32 s22, s5  }
0x9f: {  	[timem:s9], [sflag:s23] =	dma.local [hbm:s7], s21  }
0xa0: {  	_ =	swait.ge [sflag:s23], s21  }
0xa1: {  	s6 =	ssub.s32 $0x0, s21;
	[sflag:s23] =	ssyncset.done $0x0  }
0xa2: {  	[sflag:s23] =	ssyncadd.s32 s6;
	_ =	sdelay $0x1  }
0xa3: {  	s24 =	simm.s32 $0x1B8B  }
0xa4: {  	_ =	swait.ge [sflag:s24], $0x1  }
0xa5: {  	[sflag:s24] =	ssyncset.done $0x0  }
0xa6: {  	s25 =	simm.s32 $0x1B8E;
	[sflag:s24] =	ssyncadd.s32 $0xFFFFFFFF  }
0xa7: {  	s26 =	simm.s32 $execute0_lowered;
	[smem:$0x3FD2] =	sst s25  }
0xa8: {  	s6 =	sshll.u32 s26, $0x1;
	_ =	strace $0x80000046;
	[dreg:$0x1] =	wrdreg $0xFFFFFFFF  }
0xa9: {  	s28 =	simm.s32 $_size_execute0_lowered;
	s5 =	sadd.s32 s5, s6;
	[dreg:$0x0] =	wrdreg $0x0  }
0xaa: {  	s6 =	sshll.u32 s28, $0x1;
	[dreg:$0x2] =	wrdreg s5  }
0xab: {  	[dreg:$0x3] =	wrdreg s6  }
0xac: {  	[dreg:$0x4] =	wrdreg $0xC0  }
0xad: {  	_ =	task [dreg:s9], $0x5FFFF  }
0xae: {  	[dreg:$0x1] =	wrdreg $0xFFFFFFFF  }
0xaf: {  	[dreg:$0x0] =	wrdreg $0x60  }
0xb0: {  	[dreg:$0x2] =	wrdreg s2  }
0xb1: {  	[dreg:$0x3] =	wrdreg s19  }
0xb2: {  	[dreg:$0x4] =	wrdreg s4  }
0xb3: {  	[dreg:$0x5] =	wrdreg $0x9  }
0xb4: {  	_ =	task.clear_ibuf [dreg:s9], $0x6FFFF;
	_ =	strace $0x90000046  }
0xb5: {  	s29 =	simm.s32 $0x9;
	_ =	strace $0x80000048  }
0xb6: {  	_ =	swait.ge [sflag:s29], $0x1  }
0xb7: {  	[sflag:s29] =	ssyncadd.s32 $0xFFFFFFFF  }
0xb8: {  	_ =	strace $0x90000048  }
0xb9: {  	_ =	sfence  }
0xba: {  	s30 =	sld [smem:$0x0];
	_ =	sdelay $0x2  }
0xbb: {  	s31 =	sshll.u32 s1, $0xD;
	s1 =	sshrl.u32 s1, $0x2  }
0xbc: {  	s3 =	sand.u32 $0x4000, s31;
	s1 =	sadd.s32 s1, s30  }
0xbd: {  	s0 =	sor.u32 s3, s0;
	s1 =	sshll.u32 s1, $0x11  }
0xbe: {  	s0 =	sor.u32 s1, s0  }
0xbf: {  	s0 =	sadd.s32 $0x8F2B, s0  }
0xc0: {  	[sflag:s0] =	ssyncadd.remote.s32 $0x1  }
0xc1: {  	_ =	sfence.sel $0xFFFF  }
0xc2: {  	[dreg:$0x0] =	wrdreg $0xFFFFFFFF;
	(pc) =	sbr.abs _section_cstart, $3  }
0xc3: {  	[dreg:$0x1] =	wrdreg $0xFFFFFFFF  }
0xc4: {  	_ =	task.clear_ibuf [dreg:s9], $0x2FFFF;
	_ =	strace $0x9FFFFFFF  }
0xc5: {  	(tm) =	ssettm $0x7FFFFFFF  }
tec
execute0_lowered:
.L_overlay_start_1:
0x0: {  	(tag) =	ssettag $0x1  }
0x1: {  	v0 =	vimm.s32 $0x3930;
	vm14 =	vcmask $0x300;
	vm13 =	vcmask $0x704  }
0x2: {  	vm12 =	vcmask $0xB08;
	vm11 =	vcmask $0xF0C;
	vm10 =	vcmask $0x1310  }
0x3: {  	vm9 =	vcmask $0x1714;
	vm5 =	vcmask $0x1B18;
	vm0 =	vcmask $0x1F1C  }
0x4: {  	v4 =	vimm.s32 $0x3931;
	v5 =	vimm.s32 $0x3932;
	vm1 =	vcmask $0x2320  }
0x5: {  	vm2 =	vcmask $0x2724;
	vm3 =	vcmask $0x2B28;
	vm4 =	vcmask $0x2F2C  }
0x6: {  	vm6 =	vcmask $0x3330;
	vm7 =	vcmask $0x3734;
	vm8 =	vcmask $0x3B38  }
0x7: {  	v6 =	vimm.s32 $0x3933;
	v7 =	vimm.s32 $0x3934;
	v8 =	vimm.s32 $0x3935  }
0x8: {  	v9 =	vimm.s32 $0x3936;
	v10 =	vimm.s32 $0x3937;
	v11 =	vimm.s32 $0x3938  }
0x9: {  	v12 =	vimm.s32 $0x3939;
	v13 =	vimm.s32 $0x393A;
	v14 =	vimm.s32 $0x393B  }
0xa: {  	v15 =	vimm.s32 $0x393C;
	v16 =	vimm.s32 $0x393D;
	v17 =	vimm.s32 $0x393E  }
0xb: {  	v0 =	vsel vm14, $0x1, v0;
	v4 =	vsel vm14, $0x2, v4;
	v5 =	vsel vm14, $0x3, v5  }
0xc: {  	v6 =	vsel vm14, $0x4, v6;
	v7 =	vsel vm14, $0x5, v7;
	v8 =	vsel vm14, $0x6, v8  }
0xd: {  	v9 =	vsel vm14, $0x7, v9;
	v10 =	vsel vm14, $0x8, v10;
	v11 =	vsel vm14, $0x9, v11  }
0xe: {  	v12 =	vsel vm14, $0xA, v12;
	v13 =	vsel vm14, $0xB, v13;
	v14 =	vsel vm14, $0xC, v14  }
0xf: {  	v15 =	vsel vm14, $0xD, v15;
	v16 =	vsel vm14, $0xE, v16;
	v17 =	vsel vm14, $0xF, v17  }
0x10: {  	v0 =	vsel vm13, $0x3D2, v0;
	v4 =	vsel vm13, $0x3D3, v4;
	v5 =	vsel vm13, $0x3D4, v5  }
0x11: {  	v6 =	vsel vm13, $0x3D5, v6;
	v7 =	vsel vm13, $0x3D6, v7;
	v8 =	vsel vm13, $0x3D7, v8  }
0x12: {  	v9 =	vsel vm13, $0x3D8, v9;
	v10 =	vsel vm13, $0x3D9, v10;
	v11 =	vsel vm13, $0x3DA, v11  }
0x13: {  	v12 =	vsel vm13, $0x3DB, v12;
	v13 =	vsel vm13, $0x3DC, v13;
	v14 =	vsel vm13, $0x3DD, v14  }
0x14: {  	v15 =	vsel vm13, $0x3DE, v15;
	v16 =	vsel vm13, $0x3DF, v16;
	v17 =	vsel vm13, $0x3D0, v17  }
0x15: {  	v0 =	vsel vm12, $0x7A3, v0;
	v4 =	vsel vm12, $0x7A4, v4;
	v5 =	vsel vm12, $0x7A5, v5  }
0x16: {  	v6 =	vsel vm12, $0x7A6, v6;
	v7 =	vsel vm12, $0x7A7, v7;
	v8 =	vsel vm12, $0x7A8, v8  }
0x17: {  	v9 =	vsel vm12, $0x7A9, v9;
	v10 =	vsel vm12, $0x7AA, v10;
	v11 =	vsel vm12, $0x7AB, v11  }
0x18: {  	v12 =	vsel vm12, $0x7AC, v12;
	v13 =	vsel vm12, $0x7AD, v13;
	v14 =	vsel vm12, $0x7AE, v14  }
0x19: {  	v15 =	vsel vm12, $0x7AF, v15;
	v16 =	vsel vm12, $0x7A0, v16;
	v17 =	vsel vm12, $0x7A1, v17  }
0x1a: {  	v0 =	vsel vm11, $0xB74, v0;
	v4 =	vsel vm11, $0xB75, v4;
	v5 =	vsel vm11, $0xB76, v5  }
0x1b: {  	v6 =	vsel vm11, $0xB77, v6;
	v7 =	vsel vm11, $0xB78, v7;
	v8 =	vsel vm11, $0xB79, v8  }
0x1c: {  	v9 =	vsel vm11, $0xB7A, v9;
	v10 =	vsel vm11, $0xB7B, v10;
	v11 =	vsel vm11, $0xB7C, v11  }
0x1d: {  	v12 =	vsel vm11, $0xB7D, v12;
	v13 =	vsel vm11, $0xB7E, v13;
	v14 =	vsel vm11, $0xB7F, v14  }
0x1e: {  	v15 =	vsel vm11, $0xB70, v15;
	v16 =	vsel vm11, $0xB71, v16;
	v17 =	vsel vm11, $0xB72, v17  }
0x1f: {  	v1 =	vsel vm10, $0xF45, v0;
	v0 =	vlaneseq.u32;
	v4 =	vsel vm10, $0xF46, v4  }
0x20: {  	v5 =	vsel vm10, $0xF47, v5;
	v6 =	vsel vm10, $0xF48, v6;
	v7 =	vsel vm10, $0xF49, v7  }
0x21: {  	v8 =	vsel vm10, $0xF4A, v8;
	v9 =	vsel vm10, $0xF4B, v9;
	v10 =	vsel vm10, $0xF4C, v10  }
0x22: {  	v11 =	vsel vm10, $0xF4D, v11;
	v12 =	vsel vm10, $0xF4E, v12;
	v13 =	vsel vm10, $0xF4F, v13  }
0x23: {  	v14 =	vsel vm10, $0xF40, v14;
	v15 =	vsel vm10, $0xF41, v15;
	v16 =	vsel vm10, $0xF42, v16  }
0x24: {  	v17 =	vsel vm10, $0xF43, v17;
	v3 =	vsel vm9, $0x1316, v1;
	v1 =	vmul.u32 $0x3D, v0  }
0x25: {  	v2 =	vmul.u32 $0x3D1, v0;
	v4 =	vsel vm9, $0x1317, v4;
	v5 =	vsel vm9, $0x1318, v5  }
0x26: {  	v6 =	vsel vm9, $0x1319, v6;
	v7 =	vsel vm9, $0x131A, v7;
	v8 =	vsel vm9, $0x131B, v8  }
0x27: {  	v9 =	vsel vm9, $0x131C, v9;
	v10 =	vsel vm9, $0x131D, v10;
	v11 =	vsel vm9, $0x131E, v11  }
0x28: {  	v12 =	vsel vm9, $0x131F, v12;
	v13 =	vsel vm9, $0x1310, v13;
	v14 =	vsel vm9, $0x1311, v14  }
0x29: {  	v15 =	vsel vm9, $0x1312, v15;
	v16 =	vsel vm9, $0x1313, v16;
	v17 =	vsel vm9, $0x1314, v17  }
0x2a: {  	v3 =	vsel vm5, $0x16E7, v3;
	v4 =	vsel vm5, $0x16E8, v4;
	v5 =	vsel vm5, $0x16E9, v5  }
0x2b: {  	v6 =	vsel vm5, $0x16EA, v6;
	v7 =	vsel vm5, $0x16EB, v7;
	v8 =	vsel vm5, $0x16EC, v8  }
0x2c: {  	v9 =	vsel vm5, $0x16ED, v9;
	v10 =	vsel vm5, $0x16EE, v10;
	v11 =	vsel vm5, $0x16EF, v11  }
0x2d: {  	v12 =	vsel vm5, $0x16E0, v12;
	v13 =	vsel vm5, $0x16E1, v13;
	v14 =	vsel vm5, $0x16E2, v14  }
0x2e: {  	v15 =	vsel vm5, $0x16E3, v15;
	v16 =	vsel vm5, $0x16E4, v16;
	v17 =	vsel vm5, $0x16E5, v17  }
0x2f: {  	v3 =	vsel vm0, $0x1AB8, v3;
	v4 =	vsel vm0, $0x1AB9, v4;
	v5 =	vsel vm0, $0x1ABA, v5  }
0x30: {  	v6 =	vsel vm0, $0x1ABB, v6;
	v7 =	vsel vm0, $0x1ABC, v7;
	v8 =	vsel vm0, $0x1ABD, v8  }
0x31: {  	v9 =	vsel vm0, $0x1ABE, v9;
	v10 =	vsel vm0, $0x1ABF, v10;
	v11 =	vsel vm0, $0x1AB0, v11  }
0x32: {  	v12 =	vsel vm0, $0x1AB1, v12;
	v13 =	vsel vm0, $0x1AB2, v13;
	v14 =	vsel vm0, $0x1AB3, v14  }
0x33: {  	v15 =	vsel vm0, $0x1AB4, v15;
	v16 =	vsel vm0, $0x1AB5, v16;
	v17 =	vsel vm0, $0x1AB6, v17  }
0x34: {  	v3 =	vsel vm1, $0x1E89, v3;
	v4 =	vsel vm1, $0x1E8A, v4;
	v5 =	vsel vm1, $0x1E8B, v5  }
0x35: {  	v6 =	vsel vm1, $0x1E8C, v6;
	v7 =	vsel vm1, $0x1E8D, v7;
	v8 =	vsel vm1, $0x1E8E, v8  }
0x36: {  	v9 =	vsel vm1, $0x1E8F, v9;
	v10 =	vsel vm1, $0x1E80, v10;
	v11 =	vsel vm1, $0x1E81, v11  }
0x37: {  	v12 =	vsel vm1, $0x1E82, v12;
	v13 =	vsel vm1, $0x1E83, v13;
	v14 =	vsel vm1, $0x1E84, v14  }
0x38: {  	v15 =	vsel vm1, $0x1E85, v15;
	v16 =	vsel vm1, $0x1E86, v16;
	v17 =	vsel vm1, $0x1E87, v17  }
0x39: {  	v3 =	vsel vm2, $0x225A, v3;
	v4 =	vsel vm2, $0x225B, v4;
	v5 =	vsel vm2, $0x225C, v5  }
0x3a: {  	v6 =	vsel vm2, $0x225D, v6;
	v7 =	vsel vm2, $0x225E, v7;
	v8 =	vsel vm2, $0x225F, v8  }
0x3b: {  	v9 =	vsel vm2, $0x2250, v9;
	v10 =	vsel vm2, $0x2251, v10;
	v11 =	vsel vm2, $0x2252, v11  }
0x3c: {  	v12 =	vsel vm2, $0x2253, v12;
	v13 =	vsel vm2, $0x2254, v13;
	v14 =	vsel vm2, $0x2255, v14  }
0x3d: {  	v15 =	vsel vm2, $0x2256, v15;
	v16 =	vsel vm2, $0x2257, v16;
	v17 =	vsel vm2, $0x2258, v17  }
0x3e: {  	v3 =	vsel vm3, $0x262B, v3;
	v4 =	vsel vm3, $0x262C, v4;
	v5 =	vsel vm3, $0x262D, v5  }
0x3f: {  	v6 =	vsel vm3, $0x262E, v6;
	v7 =	vsel vm3, $0x262F, v7;
	v8 =	vsel vm3, $0x2620, v8  }
0x40: {  	v9 =	vsel vm3, $0x2621, v9;
	v10 =	vsel vm3, $0x2622, v10;
	v11 =	vsel vm3, $0x2623, v11  }
0x41: {  	v12 =	vsel vm3, $0x2624, v12;
	v13 =	vsel vm3, $0x2625, v13;
	v14 =	vsel vm3, $0x2626, v14  }
0x42: {  	v15 =	vsel vm3, $0x2627, v15;
	v16 =	vsel vm3, $0x2628, v16;
	v17 =	vsel vm3, $0x2629, v17  }
0x43: {  	v3 =	vsel vm4, $0x29FC, v3;
	v4 =	vsel vm4, $0x29FD, v4;
	v5 =	vsel vm4, $0x29FE, v5  }
0x44: {  	v6 =	vsel vm4, $0x29FF, v6;
	v7 =	vsel vm4, $0x29F0, v7;
	v8 =	vsel vm4, $0x29F1, v8  }
0x45: {  	v9 =	vsel vm4, $0x29F2, v9;
	v10 =	vsel vm4, $0x29F3, v10;
	v11 =	vsel vm4, $0x29F4, v11  }
0x46: {  	v12 =	vsel vm4, $0x29F5, v12;
	v13 =	vsel vm4, $0x29F6, v13;
	v14 =	vsel vm4, $0x29F7, v14  }
0x47: {  	v15 =	vsel vm4, $0x29F8, v15;
	v16 =	vsel vm4, $0x29F9, v16;
	v17 =	vsel vm4, $0x29FA, v17  }
0x48: {  	v3 =	vsel vm6, $0x2DCD, v3;
	v4 =	vsel vm6, $0x2DCE, v4;
	v5 =	vsel vm6, $0x2DCF, v5  }
0x49: {  	s0 =	rddreg [dreg:$0x0];
	v6 =	vsel vm6, $0x2DC0, v6;
	v7 =	vsel vm6, $0x2DC1, v7;
	v8 =	vsel vm6, $0x2DC2, v8  }
0x4a: {  	s1 =	rddreg [dreg:$0x1];
	v9 =	vsel vm6, $0x2DC3, v9;
	v10 =	vsel vm6, $0x2DC4, v10;
	v11 =	vsel vm6, $0x2DC5, v11  }
0x4b: {  	s2 =	rddreg [dreg:$0x2];
	v12 =	vsel vm6, $0x2DC6, v12;
	v13 =	vsel vm6, $0x2DC7, v13;
	v14 =	vsel vm6, $0x2DC8, v14  }
0x4c: {  	s3 =	srdreg.scid;
	s5 =	stileid.u32;
	s4 =	simm.s32 $0x0;
	v15 =	vsel vm6, $0x2DC9, v15;
	v16 =	vsel vm6, $0x2DCA, v16;
	v17 =	vsel vm6, $0x2DCB, v17  }
0x4d: {  	s9 =	simm.s32 $0x80;
	s10 =	simm.s32 $0x400;
	s11 =	simm.s32 $0x8600;
	v3 =	vsel vm7, $0x319E, v3;
	v4 =	vsel vm7, $0x319F, v4;
	v5 =	vsel vm7, $0x3190, v5  }
0x4e: {  	s12 =	simm.s32 $0x5;
	s13 =	simm.s32 $0x800;
	s14 =	simm.s32 $0xC00;
	v6 =	vsel vm7, $0x3191, v6;
	v7 =	vsel vm7, $0x3192, v7;
	v8 =	vsel vm7, $0x3193, v8  }
0x4f: {  	s15 =	simm.s32 $0x4900;
	s16 =	simm.s32 $0xC600;
	s17 =	simm.s32 $0x1;
	v9 =	vsel vm7, $0x3194, v9;
	v10 =	vsel vm7, $0x3195, v10;
	v11 =	vsel vm7, $0x3196, v11  }
0x50: {  	s18 =	simm.s32 $0x10600;
	s19 =	simm.s32 $0x2;
	s20 =	simm.s32 $0x4;
	v12 =	vsel vm7, $0x3197, v12;
	v13 =	vsel vm7, $0x3198, v13;
	v14 =	vsel vm7, $0x3199, v14  }
0x51: {  	s21 =	simm.s32 $0x14600;
	s22 =	simm.s32 $0x3;
	s3 =	sand.u32 $0x1, s3;
	v15 =	vsel vm7, $0x319A, v15;
	v16 =	vsel vm7, $0x319B, v16;
	v17 =	vsel vm7, $0x319C, v17  }
0x52: {  	s23 =	simm.s32 $0x0;
	s5 =	sshll.u32 s5, $0x1;
	s6 =	ssub.s32 $0x2, s3;
	v3 =	vsel vm8, $0x356F, v3;
	v4 =	vsel vm8, $0x3560, v4;
	v5 =	vsel vm8, $0x3561, v5  }
0x53: {  	[smem:$0x7FF] =	sst s4;
	s3 =	sor.u32 s3, s5;
	s31 =	sshrl.u32 s6, $0x1;
	v6 =	vsel vm8, $0x3562, v6;
	v7 =	vsel vm8, $0x3563, v7;
	v8 =	vsel vm8, $0x3564, v8  }
0x54: {  	s7 =	smul.u32 $0x7A, s3;
	s5 =	sshll.u32 s3, $0x4;
	s3 =	sshll.u32 s3, $0xF;
	v9 =	vsel vm8, $0x3565, v9;
	v10 =	vsel vm8, $0x3566, v10;
	v11 =	vsel vm8, $0x3567, v11  }
0x55: {  	_ =	strace $0x80000047;
	s6 =	ssub.s32 s6, s31;
	s3 =	sadd.s32 s0, s3;
	v12 =	vsel vm8, $0x3568, v12;
	v13 =	vsel vm8, $0x3569, v13;
	v14 =	vsel vm8, $0x356A, v14  }
0x56: {  	[dreg:$0x4] =	wrdreg s3;
	s7 =	sadd.s32 s1, s7;
	s8 =	smax.u32 s6, $0x1;
	v15 =	vsel vm8, $0x356B, v15;
	v16 =	vsel vm8, $0x356C, v16;
	v17 =	vsel vm8, $0x356D, v17  }
.LBB2_1:
0x57: {  	s1 =	rddreg [dreg:$0x4]  }
0x58: {  	[tilespmem:s11], [sflag:$0x1] =	stream.strided.gather [hbm4b:s1+s9], $0x4000, s10, s9, $0x38;
	[tilespmem:$0x18600] =	vst v63  }
0x59: {  	_ = 	snop  }
0x5a: {  	v20 =	vadd.s32 s17, v1;
	[tilespmem:s4], [sflag:$0x5] =	stream.linear.gather [hbm4b:s7+s4], $0x3D0, $0x38;
	[tilespmem:$0x18600] =	vst v63  }
0x5b: {  	_ =	swait.ge [sflag:s12], $0x3D0  }
0x5c: {  	[sflag:s12] =	ssyncset.done $0x0  }
0x5d: {  	v18 =	vimm.f32 $0.0e+00;
	[sflag:s12] =	ssyncadd.s32 $0xFFFFFC30  }
0x5e: {  	v19 =	vld.idx.msk [tilespmem:v1+s4+$0x0], $0xffff;
	[tilespmem:v1+s10+$0x0] =	vst.idx.msk $0xffff, v18  }
0x5f: {  	v21 =	vld.idx.msk [tilespmem:v20+s4+$0x0], $0xffff;
	_ =	sdelay $0x4  }
0x60: {  	v22 =	vsub.f32 v21, v19  }
0x61: {  	s3 =	simm.s32 $0x0  }
0x62: {  	v24 =	vadd.s32 s3, v1;
	v22 =	vmax.f32 v22, $0.0e+00  }
0x63: {  	s1 =	simm.s32 $0x2;
	v25 =	vmin.f32 v22, $6.666667010e-02  }
0x64: {  	s3 =	simm.s32 $0x3;
	v23 =	vadd.s32 s1, v1;
	v19 =	vadd.f32 v21, v19;
	v22 =	vadd.f32 v25, v18  }
.LBB2_2:
0x65: {  	p0 =	sne.s32 s3, $0x3C  }
0x66: {  	[tilespmem:v20+s10+$0x0] =	vst.idx.msk $0xffff, v22;
	v18 =	vadd.f32 v22, v18;
	v20 =	vmov v23  }
0x67: {  	[tilespmem:v24+s13+$0x0] =	vst.idx.msk $0xffff, v25  }
0x68: {  	v23 =	vld.idx.msk [tilespmem:v23+s4+$0x0], $0xffff;
	_ =	sdelay $0x5  }
.Ltmp0:
0x69: {  	v24 =	vsub.f32 v23, v21;
	v19 =	vadd.f32 v23, v19;
	v21 =	vmov v23;
	(pc) =	sbr.rel @p0 .LBB2_2-.Ltmp0, $4  }
0x6a: {  	s6 =	sadd.s32 $0xFFFFFFFF, s1;
	s1 =	smov.u32 s3  }
0x6b: {  	v25 =	vmax.f32 v24, $0.0e+00;
	v24 =	vadd.s32 s6, v1  }
0x6c: {  	v23 =	vadd.s32 s3, v1;
	v25 =	vmin.f32 v25, $6.666667010e-02  }
0x6d: {  	s3 =	sadd.s32 $0x1, s3;
	v22 =	vadd.f32 v25, v22  }
0x6e: {  	_ =	sdelay $0x3  }
0x6f: {  	[tilespmem:v20+s10+$0x0] =	vst.idx.msk $0xffff, v22  }
0x70: {  	[tilespmem:v24+s13+$0x0] =	vst.idx.msk $0xffff, v25  }
0x71: {  	v20 =	vld.idx.msk [tilespmem:v23+s4+$0x0], $0xffff;
	_ =	sdelay $0x4  }
0x72: {  	v21 =	vsub.f32 v20, v21  }
0x73: {  	s1 =	sadd.s32 $0xFFFFFFFF, s1  }
0x74: {  	s24 =	simm.s32 $0x0;
	v58 =	vadd.s32 s1, v1;
	v21 =	vmax.f32 v21, $0.0e+00  }
0x75: {  	v59 =	vadd.s32 s24, v1;
	v21 =	vmin.f32 v21, $6.666667010e-02  }
0x76: {  	v26 =	vadd.f32 v21, v22;
	_ =	sdelay $0x1  }
0x77: {  	v18 =	vadd.f32 v22, v18;
	[tilespmem:v23+s10+$0x0] =	vst.idx.msk $0xffff, v26  }
0x78: {  	[tilespmem:v58+s13+$0x0] =	vst.idx.msk $0xffff, v21  }
0x79: {  	v20 =	vadd.f32 v20, v19;
	v18 =	vadd.f32 v26, v18;
	v21 =	vld.idx.msk [tilespmem:v59+s10+$0x0], $0xffff  }
0x7a: {  	v19 =	vld.idx.msk [tilespmem:v59+s13+$0x0], $0xffff  }
0x7b: {  	v18 =	vsub.f32 v20, v18  }
0x7c: {  	s31 =	simm.s32 $0xFFFFFFE2  }
0x7d: {  	s1 =	scvt.s32.f32 s31;
	v18 =	vmul.f32 $1.639344170e-02, v18  }
0x7e: {  	v22 =	vadd.s32 s24, v2  }
0x7f: {  	v20 =	vadd.f32 v21, v18;
	v21 =	vmul.f32 s1, v19  }
0x80: {  	v23 =	vadd.s32 s24, v3  }
0x81: {  	v20 =	vsub.f32 v20, v21  }
0x82: {  	v21 =	vadd.s32 s24, v4  }
0x83: {  	[tilespmem:v22+s14+$0x0] =	vst.idx.msk $0xffff, v20  }
0x84: {  	v60 =	vadd.s32 s24, v5;
	[tilespmem:v22+s15+$0x0] =	vst.idx.msk $0xffff, v19  }
0x85: {  	[tilespmem:v23+s14+$0x0] =	vst.idx.msk $0xffff, v20  }
0x86: {  	v22 =	vadd.s32 s24, v6;
	[tilespmem:v23+s15+$0x0] =	vst.idx.msk $0xffff, v19  }
0x87: {  	[tilespmem:v21+s14+$0x0] =	vst.idx.msk $0xffff, v20  }
0x88: {  	v23 =	vadd.s32 s24, v7;
	[tilespmem:v21+s15+$0x0] =	vst.idx.msk $0xffff, v19  }
0x89: {  	[tilespmem:v60+s14+$0x0] =	vst.idx.msk $0xffff, v20  }
0x8a: {  	v21 =	vadd.s32 s24, v8;
	[tilespmem:v60+s15+$0x0] =	vst.idx.msk $0xffff, v19  }
0x8b: {  	[tilespmem:v22+s14+$0x0] =	vst.idx.msk $0xffff, v20  }
0x8c: {  	v61 =	vadd.s32 s24, v9;
	[tilespmem:v22+s15+$0x0] =	vst.idx.msk $0xffff, v19  }
0x8d: {  	[tilespmem:v23+s14+$0x0] =	vst.idx.msk $0xffff, v20  }
0x8e: {  	v22 =	vadd.s32 s24, v10;
	[tilespmem:v23+s15+$0x0] =	vst.idx.msk $0xffff, v19  }
0x8f: {  	[tilespmem:v21+s14+$0x0] =	vst.idx.msk $0xffff, v20  }
0x90: {  	v23 =	vadd.s32 s24, v11;
	[tilespmem:v21+s15+$0x0] =	vst.idx.msk $0xffff, v19  }
0x91: {  	[tilespmem:v61+s14+$0x0] =	vst.idx.msk $0xffff, v20  }
0x92: {  	v21 =	vadd.s32 s24, v12;
	[tilespmem:v61+s15+$0x0] =	vst.idx.msk $0xffff, v19  }
0x93: {  	[tilespmem:v22+s14+$0x0] =	vst.idx.msk $0xffff, v20  }
0x94: {  	v62 =	vadd.s32 s24, v13;
	[tilespmem:v22+s15+$0x0] =	vst.idx.msk $0xffff, v19  }
0x95: {  	[tilespmem:v23+s14+$0x0] =	vst.idx.msk $0xffff, v20  }
0x96: {  	v22 =	vadd.s32 s24, v14;
	[tilespmem:v23+s15+$0x0] =	vst.idx.msk $0xffff, v19  }
0x97: {  	[tilespmem:v21+s14+$0x0] =	vst.idx.msk $0xffff, v20  }
0x98: {  	v23 =	vadd.s32 s24, v15;
	[tilespmem:v21+s15+$0x0] =	vst.idx.msk $0xffff, v19  }
0x99: {  	[tilespmem:v62+s14+$0x0] =	vst.idx.msk $0xffff, v20  }
0x9a: {  	v63 =	vadd.s32 s24, v16;
	[tilespmem:v62+s15+$0x0] =	vst.idx.msk $0xffff, v19  }
0x9b: {  	[tilespmem:v22+s14+$0x0] =	vst.idx.msk $0xffff, v20  }
0x9c: {  	[tilespmem:v22+s15+$0x0] =	vst.idx.msk $0xffff, v19  }
0x9d: {  	v21 =	vadd.s32 s24, v17;
	[tilespmem:v23+s14+$0x0] =	vst.idx.msk $0xffff, v20  }
0x9e: {  	s1 =	simm.s32 $0x1;
	[tilespmem:v23+s15+$0x0] =	vst.idx.msk $0xffff, v19  }
0x9f: {  	v22 =	vadd.s32 s1, v1;
	[tilespmem:v63+s14+$0x0] =	vst.idx.msk $0xffff, v20  }
0xa0: {  	s26 =	simm.s32 $0x2;
	s25 =	simm.s32 $0x0;
	[tilespmem:v63+s15+$0x0] =	vst.idx.msk $0xffff, v19  }
.LBB2_4:
0xa1: {  	p0 =	sne.s32 s26, $0x3B  }
0xa2: {  	[tilespmem:v21+s14+$0x0] =	vst.idx.msk $0xffff, v20;
	s25 =	sadd.s32 $0x10, s25;
	s3 =	smov.u32 s26;
	s26 =	sadd.s32 $0x1, s26  }
0xa3: {  	[tilespmem:v21+s15+$0x0] =	vst.idx.msk $0xffff, v19  }
0xa4: {  	v20 =	vld.idx.msk [tilespmem:v22+s10+$0x0], $0xffff  }
0xa5: {  	v19 =	vld.idx.msk [tilespmem:v22+s13+$0x0], $0xffff;
	_ =	sdelay $0x1  }
0xa6: {  	s6 =	sadd.s32 $0xFFFFFFE2, s1;
	s1 =	smov.u32 s3  }
0xa7: {  	s3 =	scvt.s32.f32 s6  }
0xa8: {  	v21 =	vadd.s32 s25, v2  }
0xa9: {  	v20 =	vadd.f32 v20, v18  }
0xaa: {  	v23 =	vadd.s32 s25, v3;
	v22 =	vmul.f32 s3, v19;
	_ =	sdelay $0x1  }
0xab: {  	v20 =	vsub.f32 v20, v22;
	v22 =	vadd.s32 s25, v4;
	_ =	sdelay $0x1  }
0xac: {  	v24 =	vadd.s32 s25, v5;
	[tilespmem:v21+s14+$0x0] =	vst.idx.msk $0xffff, v20  }
0xad: {  	[tilespmem:v21+s15+$0x0] =	vst.idx.msk $0xffff, v19  }
0xae: {  	v21 =	vadd.s32 s25, v6;
	[tilespmem:v23+s14+$0x0] =	vst.idx.msk $0xffff, v20  }
0xaf: {  	[tilespmem:v23+s15+$0x0] =	vst.idx.msk $0xffff, v19  }
0xb0: {  	v23 =	vadd.s32 s25, v7;
	[tilespmem:v22+s14+$0x0] =	vst.idx.msk $0xffff, v20  }
0xb1: {  	[tilespmem:v22+s15+$0x0] =	vst.idx.msk $0xffff, v19  }
0xb2: {  	v22 =	vadd.s32 s25, v8;
	[tilespmem:v24+s14+$0x0] =	vst.idx.msk $0xffff, v20  }
0xb3: {  	[tilespmem:v24+s15+$0x0] =	vst.idx.msk $0xffff, v19  }
0xb4: {  	v24 =	vadd.s32 s25, v9;
	[tilespmem:v21+s14+$0x0] =	vst.idx.msk $0xffff, v20  }
0xb5: {  	[tilespmem:v21+s15+$0x0] =	vst.idx.msk $0xffff, v19  }
0xb6: {  	v21 =	vadd.s32 s25, v10;
	[tilespmem:v23+s14+$0x0] =	vst.idx.msk $0xffff, v20  }
0xb7: {  	[tilespmem:v23+s15+$0x0] =	vst.idx.msk $0xffff, v19  }
0xb8: {  	v23 =	vadd.s32 s25, v11;
	[tilespmem:v22+s14+$0x0] =	vst.idx.msk $0xffff, v20  }
0xb9: {  	[tilespmem:v22+s15+$0x0] =	vst.idx.msk $0xffff, v19  }
0xba: {  	v22 =	vadd.s32 s25, v12;
	[tilespmem:v24+s14+$0x0] =	vst.idx.msk $0xffff, v20  }
0xbb: {  	[tilespmem:v24+s15+$0x0] =	vst.idx.msk $0xffff, v19  }
0xbc: {  	v24 =	vadd.s32 s25, v13;
	[tilespmem:v21+s14+$0x0] =	vst.idx.msk $0xffff, v20  }
0xbd: {  	[tilespmem:v21+s15+$0x0] =	vst.idx.msk $0xffff, v19  }
0xbe: {  	v25 =	vadd.s32 s25, v14;
	[tilespmem:v23+s14+$0x0] =	vst.idx.msk $0xffff, v20  }
0xbf: {  	[tilespmem:v23+s15+$0x0] =	vst.idx.msk $0xffff, v19  }
0xc0: {  	v23 =	vadd.s32 s25, v15;
	[tilespmem:v22+s14+$0x0] =	vst.idx.msk $0xffff, v20  }
0xc1: {  	[tilespmem:v22+s15+$0x0] =	vst.idx.msk $0xffff, v19  }
0xc2: {  	v26 =	vadd.s32 s25, v16;
	[tilespmem:v24+s14+$0x0] =	vst.idx.msk $0xffff, v20  }
0xc3: {  	[tilespmem:v24+s15+$0x0] =	vst.idx.msk $0xffff, v19  }
0xc4: {  	v21 =	vadd.s32 s25, v17;
	[tilespmem:v25+s14+$0x0] =	vst.idx.msk $0xffff, v20  }
.Ltmp1:
0xc5: {  	[tilespmem:v25+s15+$0x0] =	vst.idx.msk $0xffff, v19;
	(pc) =	sbr.rel @p0 .LBB2_4-.Ltmp1, $4  }
0xc6: {  	[tilespmem:v23+s14+$0x0] =	vst.idx.msk $0xffff, v20  }
0xc7: {  	v22 =	vadd.s32 s1, v1;
	[tilespmem:v23+s15+$0x0] =	vst.idx.msk $0xffff, v19  }
0xc8: {  	[tilespmem:v26+s14+$0x0] =	vst.idx.msk $0xffff, v20  }
0xc9: {  	[tilespmem:v26+s15+$0x0] =	vst.idx.msk $0xffff, v19  }
0xca: {  	_ =	sdelay $0x3  }
0xcb: {  	[tilespmem:v21+s14+$0x0] =	vst.idx.msk $0xffff, v20  }
0xcc: {  	[tilespmem:v21+s15+$0x0] =	vst.idx.msk $0xffff, v19  }
0xcd: {  	v19 =	vld.idx.msk [tilespmem:v22+s10+$0x0], $0xffff  }
0xce: {  	v20 =	vld.idx.msk [tilespmem:v22+s13+$0x0], $0xffff;
	_ =	sdelay $0x1  }
0xcf: {  	s1 =	sadd.s32 $0xFFFFFFE2, s1  }
0xd0: {  	s3 =	sadd.s32 $0x10, s25;
	s1 =	scvt.s32.f32 s1  }
0xd1: {  	v53 =	vadd.s32 s3, v2  }
0xd2: {  	v18 =	vadd.f32 v19, v18;
	v19 =	vmul.f32 s1, v20  }
0xd3: {  	v54 =	vadd.s32 s3, v3  }
0xd4: {  	v18 =	vsub.f32 v18, v19  }
0xd5: {  	v19 =	vadd.s32 s3, v4  }
0xd6: {  	[tilespmem:v53+s14+$0x0] =	vst.idx.msk $0xffff, v18  }
0xd7: {  	v23 =	vadd.s32 s3, v5;
	[tilespmem:v53+s15+$0x0] =	vst.idx.msk $0xffff, v20  }
0xd8: {  	[tilespmem:v54+s14+$0x0] =	vst.idx.msk $0xffff, v18  }
0xd9: {  	v55 =	vadd.s32 s3, v6;
	[tilespmem:v54+s15+$0x0] =	vst.idx.msk $0xffff, v20  }
0xda: {  	[tilespmem:v19+s14+$0x0] =	vst.idx.msk $0xffff, v18  }
0xdb: {  	v56 =	vadd.s32 s3, v7;
	[tilespmem:v19+s15+$0x0] =	vst.idx.msk $0xffff, v20  }
0xdc: {  	[tilespmem:v23+s14+$0x0] =	vst.idx.msk $0xffff, v18  }
0xdd: {  	v19 =	vadd.s32 s3, v8;
	[tilespmem:v23+s15+$0x0] =	vst.idx.msk $0xffff, v20  }
0xde: {  	[tilespmem:v55+s14+$0x0] =	vst.idx.msk $0xffff, v18  }
0xdf: {  	v57 =	vadd.s32 s3, v9;
	[tilespmem:v55+s15+$0x0] =	vst.idx.msk $0xffff, v20  }
0xe0: {  	[tilespmem:v56+s14+$0x0] =	vst.idx.msk $0xffff, v18  }
0xe1: {  	v58 =	vadd.s32 s3, v10;
	[tilespmem:v56+s15+$0x0] =	vst.idx.msk $0xffff, v20  }
0xe2: {  	[tilespmem:v19+s14+$0x0] =	vst.idx.msk $0xffff, v18  }
0xe3: {  	v59 =	vadd.s32 s3, v11;
	[tilespmem:v19+s15+$0x0] =	vst.idx.msk $0xffff, v20  }
0xe4: {  	[tilespmem:v57+s14+$0x0] =	vst.idx.msk $0xffff, v18  }
0xe5: {  	v19 =	vadd.s32 s3, v12;
	[tilespmem:v57+s15+$0x0] =	vst.idx.msk $0xffff, v20  }
0xe6: {  	[tilespmem:v58+s14+$0x0] =	vst.idx.msk $0xffff, v18  }
0xe7: {  	v60 =	vadd.s32 s3, v13;
	[tilespmem:v58+s15+$0x0] =	vst.idx.msk $0xffff, v20  }
0xe8: {  	[tilespmem:v59+s14+$0x0] =	vst.idx.msk $0xffff, v18  }
0xe9: {  	v61 =	vadd.s32 s3, v14;
	[tilespmem:v59+s15+$0x0] =	vst.idx.msk $0xffff, v20  }
0xea: {  	[tilespmem:v19+s14+$0x0] =	vst.idx.msk $0xffff, v18  }
0xeb: {  	v62 =	vadd.s32 s3, v15;
	[tilespmem:v19+s15+$0x0] =	vst.idx.msk $0xffff, v20  }
0xec: {  	[tilespmem:v60+s14+$0x0] =	vst.idx.msk $0xffff, v18  }
0xed: {  	v19 =	vadd.s32 s3, v16;
	[tilespmem:v60+s15+$0x0] =	vst.idx.msk $0xffff, v20  }
0xee: {  	[tilespmem:v61+s14+$0x0] =	vst.idx.msk $0xffff, v18  }
0xef: {  	v63 =	vadd.s32 s3, v17;
	[tilespmem:v61+s15+$0x0] =	vst.idx.msk $0xffff, v20  }
0xf0: {  	[tilespmem:v62+s14+$0x0] =	vst.idx.msk $0xffff, v18  }
0xf1: {  	[tilespmem:v62+s15+$0x0] =	vst.idx.msk $0xffff, v20  }
0xf2: {  	[tilespmem:v19+s14+$0x0] =	vst.idx.msk $0xffff, v18  }
0xf3: {  	[tilespmem:v19+s15+$0x0] =	vst.idx.msk $0xffff, v20  }
0xf4: {  	[tilespmem:v63+s14+$0x0] =	vst.idx.msk $0xffff, v18  }
0xf5: {  	[tilespmem:v63+s15+$0x0] =	vst.idx.msk $0xffff, v20  }
.LBB2_6:
0xf6: {  	s28 =	sshll.u32 s24, $0x1  }
0xf7: {  	s26 =	sshllo.u32 s24, $0x1;
	s1 =	sadd.s32 s5, s28  }
0xf8: {  	s3 =	sshll.u32 s26, $0x4;
	s1 =	sshll.u32 s1, $0xB  }
0xf9: {  	s25 =	sand.u32 $0x70, s3;
	s29 =	sand.u32 $0xFFFC000, s1  }
0xfa: {  	s25 =	sor.u32 s25, s29  }
0xfb: {  	s1 =	sadd.s32 s0, s25  }
0xfc: {  	[tilespmem:s16], [sflag:$0x2] =	stream.strided.gather [hbm4b:s1+s9], $0x4000, s10, s9, $0x38;
	[tilespmem:$0x18600] =	vst v63  }
0xfd: {  	_ =	swait.ge [sflag:s17], $0x4000  }
0xfe: {  	p0 =	seq.s32 s24, $0x0;
	[sflag:s17] =	ssyncset.done $0x0  }
0xff: {  	s1 =	simm.s32 @!p0 $0x3;
	[sflag:s17] =	ssyncadd.s32 $0xFFFFC000  }
0x100: {  	_ =	swait.ge @!p0 [sflag:s1], $0x4000  }
0x101: {  	[sflag:s1] =	ssyncset.done @!p0 $0x0  }
0x102: {  	s3 =	simm.s32 $0x8620;
	[sflag:s1] =	ssyncadd.s32 @!p0 $0xFFFFC000  }
0x103: {  	v18 =	vld [tilespmem:s3+$0xFFFFFFF0]  }
0x104: {  	v19 =	vld [tilespmem:s3+$0xFFFFFFE0]  }
0x105: {  	v20 =	vld [tilespmem:s3+$0x10]  }
0x106: {  	v22 =	vld [tilespmem:s3+$0x0];
	_ =	sdelay $0x3  }
0x107: {  	v21 =	vmul.f32 $1.500000000e+01, v18;
	v18 =	vmul.f32 $1.500000000e+01, v19  }
0x108: {  	s1 =	simm.s32 $0x8660;
	v20 =	vmul.f32 $1.500000000e+01, v20;
	v19 =	vmul.f32 $1.500000000e+01, v22  }
0x109: {  	v22 =	vld [tilespmem:s1+$0xFFFFFFE0];
	v23 =	vmax.f32 v21, $-2.999999810e+01  }
0x10a: {  	v24 =	vmax.f32 v18, $-2.999999810e+01;
	v25 =	vmax.f32 v20, $-2.999999810e+01;
	v26 =	vmax.f32 v19, $-2.999999810e+01  }
0x10b: {  	v28 =	vld [tilespmem:s1+$0xFFFFFFF0];
	v23 =	vmin.f32 v23, $2.875000000e+01;
	v24 =	vmin.f32 v24, $2.875000000e+01;
	v25 =	vmin.f32 v25, $2.875000000e+01  }
0x10c: {  	s6 =	smul.u32 $0x7A0, s24;
	v27 =	vld [tilespmem:s1+$0x0];
	v26 =	vmin.f32 v26, $2.875000000e+01;
	v23 =	vadd.f32 $1.275000000e+02, v23;
	v24 =	vadd.f32 $1.275000000e+02, v24  }
0x10d: {  	v29 =	vld [tilespmem:s1+$0x10];
	v30 =	vadd.f32 $1.275000000e+02, v25;
	v26 =	vadd.f32 $1.275000000e+02, v26  }
0x10e: {  	s3 =	sadd.s32 $0x4FFFF9E0, s6;
	v22 =	vmul.f32 $1.500000000e+01, v22;
	v23 =	vadd.f32 $8.388608000e+06, v23;
	v24 =	vadd.f32 $8.388608000e+06, v24  }
0x10f: {  	v25 =	vor.u32 s3, v0;
	v30 =	vadd.f32 $8.388608000e+06, v30;
	v33 =	vadd.f32 $8.388608000e+06, v26  }
0x110: {  	v26 =	vmul.f32 $1.500000000e+01, v28;
	v34 =	vmax.f32 v22, $-2.999999810e+01;
	v23 =	vshll.u32 v23, $0x4  }
0x111: {  	s3 =	simm.s32 $0x86A0;
	v31 =	vshll.u32 v24, $0x4;
	v32 =	vadd.s32 v25, v23;
	v23 =	vmul.f32 $1.500000000e+01, v27  }
0x112: {  	v38 =	vld [tilespmem:s3+$0x10];
	v30 =	vshll.u32 v30, $0x4;
	v24 =	vmul.f32 $1.500000000e+01, v29;
	v28 =	vadd.s32 v25, v31  }
0x113: {  	v29 =	vld [tilespmem:s3+$0x0];
	v35 =	vadd.s32 v25, v30;
	v27 =	vmin.f32 v34, $2.875000000e+01;
	v58 =	vmax.f32 v23, $-2.999999810e+01  }
0x114: {  	v36 =	vld [tilespmem:s3+$0xFFFFFFE0];
	v30 =	vmax.f32 v26, $-2.999999810e+01;
	v31 =	vmax.f32 v24, $-2.999999810e+01;
	v41 =	vmin.f32 v58, $2.875000000e+01  }
0x115: {  	v30 =	vmin.f32 v30, $2.875000000e+01;
	v37 =	vadd.f32 $1.275000000e+02, v27;
	v42 =	vadd.f32 $1.275000000e+02, v41;
	v41 =	vld [tilespmem:s3+$0xFFFFFFF0]  }
0x116: {  	v33 =	vshll.u32 v33, $0x4;
	v31 =	vmin.f32 v31, $2.875000000e+01;
	v40 =	vadd.f32 $1.275000000e+02, v30;
	v30 =	vld.idx.msk [tilespmem:v32+s15+$0x0], $0xffff  }
0x117: {  	v39 =	vadd.s32 v25, v33;
	v31 =	vadd.f32 $1.275000000e+02, v31;
	v59 =	vadd.f32 $8.388608000e+06, v37;
	v27 =	vld.idx.msk [tilespmem:v32+s14+$0x0], $0xffff  }
0x118: {  	v60 =	vadd.f32 $8.388608000e+06, v40;
	v29 =	vmul.f32 $1.500000000e+01, v29;
	v34 =	vld.idx.msk [tilespmem:v28+s15+$0x0], $0xffff  }
0x119: {  	v43 =	vadd.f32 $8.388608000e+06, v31;
	v40 =	vshll.u32 v59, $0x4;
	v31 =	vmul.f32 $1.500000000e+01, v36;
	v28 =	vld.idx.msk [tilespmem:v28+s14+$0x0], $0xffff  }
0x11a: {  	s6 =	sshll.u32 s24, $0x5;
	v36 =	vld.idx.msk [tilespmem:v35+s15+$0x0], $0xffff;
	v32 =	vmul.f32 $1.500000000e+01, v38;
	v61 =	vshll.u32 v60, $0x4;
	v42 =	vadd.f32 $8.388608000e+06, v42  }
0x11b: {  	s31 =	simm.s32 $0x10620;
	s30 =	sand.u32 $0x60, s6;
	v35 =	vld.idx.msk [tilespmem:v35+s14+$0x0], $0xffff;
	v37 =	vadd.s32 v25, v61;
	v62 =	vshll.u32 v43, $0x4;
	v63 =	vmax.f32 v31, $-2.999999810e+01  }
0x11c: {  	s6 =	simm.s32 $0x86E0;
	s1 =	simm.s32 $0x10620;
	s3 =	simm.s32 $0x80;
	v38 =	vld.idx.msk [tilespmem:v39+s15+$0x0], $0xffff;
	v33 =	vadd.s32 v25, v62;
	v43 =	vmin.f32 v63, $2.875000000e+01;
	v42 =	vshll.u32 v42, $0x4  }
.LBB2_7:
0x11d: {  	s3 =	sadd.s32 $0x40, s3;
	v41 =	vmul.f32 $1.500000000e+01, v41;
	v44 =	vmax.f32 v32, $-2.999999810e+01;
	v45 =	vmul.f32 v34, v18;
	v46 =	vld.idx.msk [tilespmem:v39+s14+$0x0], $0xffff;
	s31 =	sadd.s32 $0x40, s31;
	v18 =	vmovc v22;
	v22 =	vmovc v31  }
0x11e: {  	v47 =	vld [tilespmem:s6+$0x0];
	p1 =	slt.u32 s3, $0x3FC0;
	v31 =	vmax.f32 v29, $-2.999999810e+01;
	v34 =	vmin.f32 v44, $2.875000000e+01;
	v44 =	vadd.s32 v25, v40  }
0x11f: {  	v48 =	vld [tilespmem:s6+$0x10];
	v39 =	vmax.f32 v41, $-2.999999810e+01;
	v49 =	vadd.f32 $1.275000000e+02, v34;
	v34 =	vmul.f32 v30, v21;
	v21 =	vmovc v26;
	v26 =	vmovc v41  }
0x120: {  	v40 =	vadd.f32 $1.275000000e+02, v43;
	v31 =	vmin.f32 v31, $2.875000000e+01;
	v50 =	vld [tilespmem:s6+$0xFFFFFFE0];
	v30 =	vmin.f32 v39, $2.875000000e+01  }
0x121: {  	v43 =	vadd.f32 $1.275000000e+02, v31;
	v31 =	vmul.f32 v36, v20;
	v20 =	vmovc v24;
	v24 =	vmovc v32;
	v41 =	vadd.f32 $1.275000000e+02, v30;
	v30 =	vld.idx.msk [tilespmem:v37+s15+$0x0], $0xffff  }
0x122: {  	v32 =	vadd.f32 $8.388608000e+06, v40;
	v39 =	vadd.s32 v25, v42;
	v36 =	vadd.f32 v34, v27;
	v27 =	vld.idx.msk [tilespmem:v37+s14+$0x0], $0xffff  }
0x123: {  	v38 =	vmul.f32 v38, v19;
	v19 =	vmovc v23;
	v35 =	vadd.f32 v31, v35;
	v37 =	vadd.f32 $8.388608000e+06, v41;
	v34 =	vld.idx.msk [tilespmem:v44+s15+$0x0], $0xffff  }
.Ltmp2:
0x124: {  	v42 =	vadd.f32 v45, v28;
	v23 =	vmovc v29;
	v40 =	vshll.u32 v32, $0x4;
	v32 =	vadd.f32 $8.388608000e+06, v49;
	v41 =	vld [tilespmem:s6+$0xFFFFFFF0];
	[tilespmem:s1+$0xFFFFFFF0] =	vst v36;
	(pc) =	sbr.rel @p1 .LBB2_7-.Ltmp2, $4  }
0x125: {  	v38 =	vadd.f32 v38, v46;
	v31 =	vmul.f32 $1.500000000e+01, v50;
	v29 =	vshll.u32 v37, $0x4;
	v28 =	vld.idx.msk [tilespmem:v44+s14+$0x0], $0xffff;
	[tilespmem:s1+$0x10] =	vst v35  }
0x126: {  	v44 =	vadd.f32 $8.388608000e+06, v43;
	v37 =	vadd.s32 v25, v29;
	v29 =	vshll.u32 v32, $0x4;
	v36 =	vld.idx.msk [tilespmem:v33+s15+$0x0], $0xffff;
	[tilespmem:s1+$0xFFFFFFE0] =	vst v42  }
0x127: {  	v32 =	vmul.f32 $1.500000000e+01, v48;
	v42 =	vmax.f32 v31, $-2.999999810e+01;
	v35 =	vld.idx.msk [tilespmem:v33+s14+$0x0], $0xffff;
	v33 =	vadd.s32 v25, v29;
	[tilespmem:s1+$0x0] =	vst v38;
	s1 =	smov.u32 s31  }
0x128: {  	s6 =	sadd.s32 $0x40, s6;
	v29 =	vmul.f32 $1.500000000e+01, v47;
	v43 =	vmin.f32 v42, $2.875000000e+01;
	v42 =	vshll.u32 v44, $0x4;
	v38 =	vld.idx.msk [tilespmem:v39+s15+$0x0], $0xffff  }
0x129: {  	_ =	sdelay $0x2  }
0x12a: {  	v41 =	vmul.f32 $1.500000000e+01, v41;
	v45 =	vmax.f32 v32, $-2.999999810e+01;
	v43 =	vadd.f32 $1.275000000e+02, v43  }
0x12b: {  	v40 =	vadd.s32 v25, v40;
	v39 =	vld.idx.msk [tilespmem:v39+s14+$0x0], $0xffff;
	v45 =	vmin.f32 v45, $2.875000000e+01;
	v47 =	vmax.f32 v29, $-2.999999810e+01  }
0x12c: {  	v46 =	vld.idx.msk [tilespmem:v37+s15+$0x0], $0xffff;
	v44 =	vmax.f32 v41, $-2.999999810e+01;
	v45 =	vadd.f32 $1.275000000e+02, v45;
	v43 =	vadd.f32 $8.388608000e+06, v43  }
0x12d: {  	v62 =	vld.idx.msk [tilespmem:v37+s14+$0x0], $0xffff;
	v42 =	vadd.s32 v25, v42;
	v47 =	vmin.f32 v47, $2.875000000e+01;
	v44 =	vmin.f32 v44, $2.875000000e+01  }
0x12e: {  	v49 =	vld.idx.msk [tilespmem:v33+s15+$0x0], $0xffff;
	v47 =	vadd.f32 $1.275000000e+02, v47;
	v45 =	vadd.f32 $8.388608000e+06, v45;
	v43 =	vshll.u32 v43, $0x4  }
0x12f: {  	v63 =	vld.idx.msk [tilespmem:v33+s14+$0x0], $0xffff;
	v44 =	vadd.f32 $1.275000000e+02, v44;
	v43 =	vadd.s32 v25, v43  }
0x130: {  	v48 =	vld.idx.msk [tilespmem:v40+s15+$0x0], $0xffff;
	v47 =	vadd.f32 $8.388608000e+06, v47;
	v45 =	vshll.u32 v45, $0x4  }
0x131: {  	v40 =	vld.idx.msk [tilespmem:v40+s14+$0x0], $0xffff;
	v44 =	vadd.f32 $8.388608000e+06, v44;
	v45 =	vadd.s32 v25, v45  }
0x132: {  	v50 =	vld.idx.msk [tilespmem:v42+s15+$0x0], $0xffff;
	v47 =	vshll.u32 v47, $0x4  }
0x133: {  	v18 =	vmul.f32 v34, v18;
	v42 =	vld.idx.msk [tilespmem:v42+s14+$0x0], $0xffff;
	v44 =	vshll.u32 v44, $0x4;
	v51 =	vadd.s32 v25, v47  }
0x134: {  	v21 =	vmul.f32 v30, v21;
	v44 =	vadd.s32 v25, v44;
	v54 =	vld.idx.msk [tilespmem:v43+s15+$0x0], $0xffff  }
0x135: {  	v18 =	vadd.f32 v18, v28;
	v19 =	vmul.f32 v38, v19;
	v60 =	vld.idx.msk [tilespmem:v43+s14+$0x0], $0xffff  }
0x136: {  	v20 =	vmul.f32 v36, v20;
	v21 =	vadd.f32 v21, v27;
	v56 =	vld.idx.msk [tilespmem:v45+s15+$0x0], $0xffff  }
0x137: {  	[tilespmem:s1+$0xFFFFFFE0] =	vst v18;
	v19 =	vadd.f32 v19, v39;
	v18 =	vmul.f32 v48, v22;
	v58 =	vld.idx.msk [tilespmem:v45+s14+$0x0], $0xffff  }
0x138: {  	v20 =	vadd.f32 v20, v35;
	[tilespmem:s1+$0xFFFFFFF0] =	vst v21;
	v55 =	vmul.f32 v46, v26;
	v59 =	vld.idx.msk [tilespmem:v51+s15+$0x0], $0xffff  }
0x139: {  	[tilespmem:s1+$0x0] =	vst v19;
	v19 =	vmul.f32 v50, v23;
	v18 =	vadd.f32 v18, v40;
	v52 =	vld.idx.msk [tilespmem:v44+s15+$0x0], $0xffff  }
0x13a: {  	s3 =	sadd.s32 $0x40, s31;
	v57 =	vmul.f32 v49, v24;
	[tilespmem:s1+$0x10] =	vst v20;
	v21 =	vadd.f32 v55, v62;
	v61 =	vld.idx.msk [tilespmem:v51+s14+$0x0], $0xffff  }
0x13b: {  	v19 =	vadd.f32 v19, v42;
	v53 =	vld.idx.msk [tilespmem:v44+s14+$0x0], $0xffff;
	[tilespmem:s3+$0xFFFFFFE0] =	vst v18;
	v18 =	vmul.f32 v54, v31  }
0x13c: {  	v20 =	vadd.f32 v57, v63;
	[tilespmem:s3+$0xFFFFFFF0] =	vst v21;
	v63 =	vmul.f32 v56, v32  }
0x13d: {  	[tilespmem:s3+$0x0] =	vst v19;
	v18 =	vadd.f32 v18, v60;
	v19 =	vmul.f32 v59, v29  }
0x13e: {  	p1 =	sne.s32 s24, $0x7;
	s6 =	sadd.s32 $0x40, s3;
	[tilespmem:s3+$0x10] =	vst v20;
	v62 =	vmul.f32 v52, v41;
	v20 =	vadd.f32 v63, v58  }
.Ltmp3:
0x13f: {  	[tilespmem:s6+$0xFFFFFFE0] =	vst v18;
	v19 =	vadd.f32 v19, v61;
	(pc) =	sbr.rel @p1 .LBB2_10-.Ltmp3, $4  }
0x140: {  	v25 =	vadd.f32 v62, v53;
	[tilespmem:s6+$0x10] =	vst v20  }
0x141: {  	s30 =	sadd.s32 s2, s30;
	[tilespmem:s6+$0x0] =	vst v19  }
0x142: {  	s31 =	sadd.s32 s29, s30;
	[tilespmem:s6+$0xFFFFFFF0] =	vst v25  }
0x143: {  	[hbm4b:s31+s9] =	stream.strided.scatter [tilespmem:s18], [sflag:$0x3], $0x4000, s10, s9, $0x38;
	[tilespmem:$0x18600] =	vst v63  }
.Ltmp4:
0x144: {  	(pc) =	sbr.rel .LBB2_11-.Ltmp4, $4  }
0x145: {  	_ = 	snop  }
0x146: {  	_ =	swait.ge [sflag:s19], $0x4000  }
0x147: {  	[sflag:s19] =	ssyncset.done $0x0  }
0x148: {  	[sflag:s19] =	ssyncadd.s32 $0xFFFFC000  }
.LBB2_10:
0x149: {  	s1 =	sadd.s32 $0x2, s28  }
0x14a: {  	s3 =	sadd.s32 s5, s1;
	s1 =	sshll.u32 s1, $0x4  }
0x14b: {  	s3 =	sshll.u32 s3, $0xB;
	s1 =	sand.u32 $0x60, s1  }
0x14c: {  	s3 =	sand.u32 $0xFFFC000, s3;
	s1 =	sadd.s32 s0, s1  }
.Ltmp5:
0x14d: {  	s1 =	sadd.s32 s3, s1;
	(pc) =	sbr.rel @p0 .LBB2_12-.Ltmp5, $4  }
0x14e: {  	[tilespmem:s11], [sflag:$0x1] =	stream.strided.gather [hbm4b:s1+s9], $0x4000, s10, s9, $0x38;
	[tilespmem:$0x18600] =	vst v63  }
0x14f: {  	_ =	swait.ge [sflag:s19], $0x4000  }
0x150: {  	[sflag:s19] =	ssyncset.done $0x0  }
0x151: {  	[sflag:s19] =	ssyncadd.s32 $0xFFFFC000  }
.LBB2_11:
0x152: {  	_ =	swait.ge [sflag:s20], $0x4000  }
0x153: {  	[sflag:s20] =	ssyncset.done $0x0  }
0x154: {  	[sflag:s20] =	ssyncadd.s32 $0xFFFFC000  }
.LBB2_12:
0x155: {  	s1 =	simm.s32 $0xC620  }
0x156: {  	v18 =	vld [tilespmem:s1+$0xFFFFFFF0]  }
0x157: {  	v19 =	vld [tilespmem:s1+$0xFFFFFFE0]  }
0x158: {  	v20 =	vld [tilespmem:s1+$0x10]  }
0x159: {  	v22 =	vld [tilespmem:s1+$0x0];
	_ =	sdelay $0x3  }
0x15a: {  	v21 =	vmul.f32 $1.500000000e+01, v18;
	v18 =	vmul.f32 $1.500000000e+01, v19  }
0x15b: {  	s30 =	simm.s32 $0xC660;
	v20 =	vmul.f32 $1.500000000e+01, v20;
	v19 =	vmul.f32 $1.500000000e+01, v22  }
0x15c: {  	v22 =	vld [tilespmem:s30+$0xFFFFFFE0];
	v23 =	vmax.f32 v21, $-2.999999810e+01  }
0x15d: {  	v24 =	vmax.f32 v18, $-2.999999810e+01;
	v25 =	vmax.f32 v20, $-2.999999810e+01;
	v26 =	vmax.f32 v19, $-2.999999810e+01  }
0x15e: {  	v28 =	vld [tilespmem:s30+$0xFFFFFFF0];
	v23 =	vmin.f32 v23, $2.875000000e+01;
	v24 =	vmin.f32 v24, $2.875000000e+01;
	v25 =	vmin.f32 v25, $2.875000000e+01  }
0x15f: {  	s3 =	smul.u32 $0x3D0, s26;
	v27 =	vld [tilespmem:s30+$0x0];
	v26 =	vmin.f32 v26, $2.875000000e+01;
	v23 =	vadd.f32 $1.275000000e+02, v23;
	v24 =	vadd.f32 $1.275000000e+02, v24  }
0x160: {  	v29 =	vld [tilespmem:s30+$0x10];
	v30 =	vadd.f32 $1.275000000e+02, v25;
	v26 =	vadd.f32 $1.275000000e+02, v26  }
0x161: {  	s3 =	sadd.s32 $0x4FFFF9E0, s3;
	v22 =	vmul.f32 $1.500000000e+01, v22;
	v23 =	vadd.f32 $8.388608000e+06, v23;
	v24 =	vadd.f32 $8.388608000e+06, v24  }
0x162: {  	v25 =	vor.u32 s3, v0;
	v30 =	vadd.f32 $8.388608000e+06, v30;
	v33 =	vadd.f32 $8.388608000e+06, v26  }
0x163: {  	v26 =	vmul.f32 $1.500000000e+01, v28;
	v34 =	vmax.f32 v22, $-2.999999810e+01;
	v23 =	vshll.u32 v23, $0x4  }
0x164: {  	s31 =	simm.s32 $0xC6A0;
	v31 =	vshll.u32 v24, $0x4;
	v32 =	vadd.s32 v25, v23;
	v23 =	vmul.f32 $1.500000000e+01, v27  }
0x165: {  	v36 =	vld [tilespmem:s31+$0xFFFFFFE0];
	v30 =	vshll.u32 v30, $0x4;
	v24 =	vmul.f32 $1.500000000e+01, v29;
	v29 =	vadd.s32 v25, v31  }
0x166: {  	v28 =	vld [tilespmem:s31+$0x0];
	v38 =	vadd.s32 v25, v30;
	v27 =	vmin.f32 v34, $2.875000000e+01;
	v35 =	vmax.f32 v23, $-2.999999810e+01  }
0x167: {  	v31 =	vld [tilespmem:s31+$0x10];
	v30 =	vmax.f32 v26, $-2.999999810e+01;
	v60 =	vmax.f32 v24, $-2.999999810e+01;
	v41 =	vmin.f32 v35, $2.875000000e+01  }
0x168: {  	v30 =	vmin.f32 v30, $2.875000000e+01;
	v37 =	vadd.f32 $1.275000000e+02, v27;
	v42 =	vadd.f32 $1.275000000e+02, v41;
	v41 =	vld [tilespmem:s31+$0xFFFFFFF0]  }
0x169: {  	v33 =	vshll.u32 v33, $0x4;
	v34 =	vmin.f32 v60, $2.875000000e+01;
	v40 =	vadd.f32 $1.275000000e+02, v30;
	v30 =	vld.idx.msk [tilespmem:v32+s15+$0x0], $0xffff  }
0x16a: {  	v39 =	vadd.s32 v25, v33;
	v34 =	vadd.f32 $1.275000000e+02, v34;
	v61 =	vadd.f32 $8.388608000e+06, v37;
	v27 =	vld.idx.msk [tilespmem:v32+s14+$0x0], $0xffff  }
0x16b: {  	v28 =	vmul.f32 $1.500000000e+01, v28;
	v62 =	vadd.f32 $8.388608000e+06, v40;
	v35 =	vld.idx.msk [tilespmem:v29+s15+$0x0], $0xffff  }
0x16c: {  	v34 =	vadd.f32 $8.388608000e+06, v34;
	v40 =	vshll.u32 v61, $0x4;
	v32 =	vmul.f32 $1.500000000e+01, v36;
	v29 =	vld.idx.msk [tilespmem:v29+s14+$0x0], $0xffff  }
0x16d: {  	v36 =	vld.idx.msk [tilespmem:v38+s15+$0x0], $0xffff;
	v31 =	vmul.f32 $1.500000000e+01, v31;
	v33 =	vshll.u32 v62, $0x4;
	v42 =	vadd.f32 $8.388608000e+06, v42  }
0x16e: {  	s26 =	simm.s32 $0x14620;
	v37 =	vadd.s32 v25, v33;
	v63 =	vshll.u32 v34, $0x4;
	v43 =	vmax.f32 v32, $-2.999999810e+01;
	v34 =	vld.idx.msk [tilespmem:v38+s14+$0x0], $0xffff  }
0x16f: {  	s6 =	simm.s32 $0xC6E0;
	s1 =	simm.s32 $0x14620;
	s3 =	simm.s32 $0x80;
	v38 =	vld.idx.msk [tilespmem:v39+s15+$0x0], $0xffff;
	v33 =	vadd.s32 v25, v63;
	v43 =	vmin.f32 v43, $2.875000000e+01;
	v42 =	vshll.u32 v42, $0x4  }
.LBB2_13:
0x170: {  	s3 =	sadd.s32 $0x40, s3;
	v41 =	vmul.f32 $1.500000000e+01, v41;
	v44 =	vmax.f32 v31, $-2.999999810e+01;
	v45 =	vmul.f32 v35, v18;
	v46 =	vld.idx.msk [tilespmem:v39+s14+$0x0], $0xffff;
	s26 =	sadd.s32 $0x40, s26;
	v18 =	vmovc v22;
	v22 =	vmovc v32  }
0x171: {  	v47 =	vld [tilespmem:s6+$0x0];
	p0 =	slt.u32 s3, $0x3FC0;
	v32 =	vmax.f32 v28, $-2.999999810e+01;
	v35 =	vmin.f32 v44, $2.875000000e+01;
	v44 =	vadd.s32 v25, v40  }
0x172: {  	v48 =	vld [tilespmem:s6+$0x10];
	v39 =	vmax.f32 v41, $-2.999999810e+01;
	v49 =	vadd.f32 $1.275000000e+02, v35;
	v35 =	vmul.f32 v30, v21;
	v21 =	vmovc v26;
	v26 =	vmovc v41  }
0x173: {  	v40 =	vadd.f32 $1.275000000e+02, v43;
	v32 =	vmin.f32 v32, $2.875000000e+01;
	v50 =	vld [tilespmem:s6+$0xFFFFFFE0];
	v30 =	vmin.f32 v39, $2.875000000e+01  }
0x174: {  	v43 =	vadd.f32 $1.275000000e+02, v32;
	v32 =	vmul.f32 v36, v20;
	v20 =	vmovc v24;
	v24 =	vmovc v31;
	v41 =	vadd.f32 $1.275000000e+02, v30;
	v30 =	vld.idx.msk [tilespmem:v37+s15+$0x0], $0xffff  }
0x175: {  	v31 =	vadd.f32 $8.388608000e+06, v40;
	v39 =	vadd.s32 v25, v42;
	v36 =	vadd.f32 v35, v27;
	v27 =	vld.idx.msk [tilespmem:v37+s14+$0x0], $0xffff  }
0x176: {  	v38 =	vmul.f32 v38, v19;
	v19 =	vmovc v23;
	v34 =	vadd.f32 v32, v34;
	v37 =	vadd.f32 $8.388608000e+06, v41;
	v35 =	vld.idx.msk [tilespmem:v44+s15+$0x0], $0xffff  }
.Ltmp6:
0x177: {  	v42 =	vadd.f32 v45, v29;
	v23 =	vmovc v28;
	v40 =	vshll.u32 v31, $0x4;
	v31 =	vadd.f32 $8.388608000e+06, v49;
	v41 =	vld [tilespmem:s6+$0xFFFFFFF0];
	[tilespmem:s1+$0xFFFFFFF0] =	vst v36;
	(pc) =	sbr.rel @p0 .LBB2_13-.Ltmp6, $4  }
0x178: {  	v38 =	vadd.f32 v38, v46;
	v32 =	vmul.f32 $1.500000000e+01, v50;
	v28 =	vshll.u32 v37, $0x4;
	v29 =	vld.idx.msk [tilespmem:v44+s14+$0x0], $0xffff;
	[tilespmem:s1+$0x10] =	vst v34  }
0x179: {  	v44 =	vadd.f32 $8.388608000e+06, v43;
	v37 =	vadd.s32 v25, v28;
	v28 =	vshll.u32 v31, $0x4;
	v36 =	vld.idx.msk [tilespmem:v33+s15+$0x0], $0xffff;
	[tilespmem:s1+$0xFFFFFFE0] =	vst v42  }
0x17a: {  	v31 =	vmul.f32 $1.500000000e+01, v48;
	v42 =	vmax.f32 v32, $-2.999999810e+01;
	v34 =	vld.idx.msk [tilespmem:v33+s14+$0x0], $0xffff;
	v33 =	vadd.s32 v25, v28;
	[tilespmem:s1+$0x0] =	vst v38;
	s1 =	smov.u32 s26  }
0x17b: {  	s6 =	sadd.s32 $0x40, s6;
	v28 =	vmul.f32 $1.500000000e+01, v47;
	v43 =	vmin.f32 v42, $2.875000000e+01;
	v42 =	vshll.u32 v44, $0x4;
	v38 =	vld.idx.msk [tilespmem:v39+s15+$0x0], $0xffff  }
0x17c: {  	_ =	sdelay $0x2  }
0x17d: {  	v41 =	vmul.f32 $1.500000000e+01, v41;
	v45 =	vmax.f32 v31, $-2.999999810e+01;
	v43 =	vadd.f32 $1.275000000e+02, v43  }
0x17e: {  	v40 =	vadd.s32 v25, v40;
	v39 =	vld.idx.msk [tilespmem:v39+s14+$0x0], $0xffff;
	v45 =	vmin.f32 v45, $2.875000000e+01;
	v47 =	vmax.f32 v28, $-2.999999810e+01  }
0x17f: {  	v46 =	vld.idx.msk [tilespmem:v37+s15+$0x0], $0xffff;
	v44 =	vmax.f32 v41, $-2.999999810e+01;
	v45 =	vadd.f32 $1.275000000e+02, v45;
	v43 =	vadd.f32 $8.388608000e+06, v43  }
0x180: {  	v62 =	vld.idx.msk [tilespmem:v37+s14+$0x0], $0xffff;
	v42 =	vadd.s32 v25, v42;
	v47 =	vmin.f32 v47, $2.875000000e+01;
	v44 =	vmin.f32 v44, $2.875000000e+01  }
0x181: {  	v49 =	vld.idx.msk [tilespmem:v33+s15+$0x0], $0xffff;
	v47 =	vadd.f32 $1.275000000e+02, v47;
	v45 =	vadd.f32 $8.388608000e+06, v45;
	v43 =	vshll.u32 v43, $0x4  }
0x182: {  	v63 =	vld.idx.msk [tilespmem:v33+s14+$0x0], $0xffff;
	v44 =	vadd.f32 $1.275000000e+02, v44;
	v43 =	vadd.s32 v25, v43  }
0x183: {  	v48 =	vld.idx.msk [tilespmem:v40+s15+$0x0], $0xffff;
	v47 =	vadd.f32 $8.388608000e+06, v47;
	v45 =	vshll.u32 v45, $0x4  }
0x184: {  	v40 =	vld.idx.msk [tilespmem:v40+s14+$0x0], $0xffff;
	v44 =	vadd.f32 $8.388608000e+06, v44;
	v45 =	vadd.s32 v25, v45  }
0x185: {  	v50 =	vld.idx.msk [tilespmem:v42+s15+$0x0], $0xffff;
	v47 =	vshll.u32 v47, $0x4  }
0x186: {  	v18 =	vmul.f32 v35, v18;
	v42 =	vld.idx.msk [tilespmem:v42+s14+$0x0], $0xffff;
	v44 =	vshll.u32 v44, $0x4;
	v51 =	vadd.s32 v25, v47  }
0x187: {  	v21 =	vmul.f32 v30, v21;
	v44 =	vadd.s32 v25, v44;
	v54 =	vld.idx.msk [tilespmem:v43+s15+$0x0], $0xffff  }
0x188: {  	v18 =	vadd.f32 v18, v29;
	v19 =	vmul.f32 v38, v19;
	v60 =	vld.idx.msk [tilespmem:v43+s14+$0x0], $0xffff  }
0x189: {  	v20 =	vmul.f32 v36, v20;
	v21 =	vadd.f32 v21, v27;
	v56 =	vld.idx.msk [tilespmem:v45+s15+$0x0], $0xffff  }
0x18a: {  	[tilespmem:s1+$0xFFFFFFE0] =	vst v18;
	v19 =	vadd.f32 v19, v39;
	v18 =	vmul.f32 v48, v22;
	v58 =	vld.idx.msk [tilespmem:v45+s14+$0x0], $0xffff  }
0x18b: {  	v20 =	vadd.f32 v20, v34;
	[tilespmem:s1+$0xFFFFFFF0] =	vst v21;
	v55 =	vmul.f32 v46, v26;
	v59 =	vld.idx.msk [tilespmem:v51+s15+$0x0], $0xffff  }
0x18c: {  	[tilespmem:s1+$0x0] =	vst v19;
	v19 =	vmul.f32 v50, v23;
	v18 =	vadd.f32 v18, v40;
	v52 =	vld.idx.msk [tilespmem:v44+s15+$0x0], $0xffff  }
0x18d: {  	s3 =	sadd.s32 $0x40, s26;
	v57 =	vmul.f32 v49, v24;
	[tilespmem:s1+$0x10] =	vst v20;
	v21 =	vadd.f32 v55, v62;
	v61 =	vld.idx.msk [tilespmem:v51+s14+$0x0], $0xffff  }
0x18e: {  	v19 =	vadd.f32 v19, v42;
	v53 =	vld.idx.msk [tilespmem:v44+s14+$0x0], $0xffff;
	[tilespmem:s3+$0xFFFFFFE0] =	vst v18;
	v18 =	vmul.f32 v54, v32  }
0x18f: {  	v20 =	vadd.f32 v57, v63;
	[tilespmem:s3+$0xFFFFFFF0] =	vst v21;
	v63 =	vmul.f32 v56, v31  }
0x190: {  	s24 =	sadd.s32 $0x1, s24;
	[tilespmem:s3+$0x0] =	vst v19;
	v18 =	vadd.f32 v18, v60;
	v19 =	vmul.f32 v59, v28  }
0x191: {  	s30 =	sadd.s32 $0x40, s3;
	p0 =	sne.s32 s24, $0x8;
	[tilespmem:s3+$0x10] =	vst v20;
	v62 =	vmul.f32 v52, v41;
	v20 =	vadd.f32 v63, v58  }
.Ltmp7:
0x192: {  	[tilespmem:s30+$0xFFFFFFE0] =	vst v18;
	v19 =	vadd.f32 v19, v61;
	(pc) =	sbr.rel @p0 .LBB2_6-.Ltmp7, $4  }
0x193: {  	v25 =	vadd.f32 v62, v53;
	[tilespmem:s30+$0x10] =	vst v20  }
0x194: {  	[tilespmem:s30+$0x0] =	vst v19  }
0x195: {  	s31 =	sadd.s32 s2, s25;
	[tilespmem:s30+$0xFFFFFFF0] =	vst v25  }
0x196: {  	[hbm4b:s31+s9] =	stream.strided.scatter [tilespmem:s21], [sflag:$0x4], $0x4000, s10, s9, $0x38;
	[tilespmem:$0x18600] =	vst v63  }
0x197: {  	s23 =	sadd.s32 $0x1, s23  }
0x198: {  	_ =	swait.ge [sflag:s22], $0x4000;
	p0 =	sne.s32 s23, s8  }
.Ltmp8:
0x199: {  	[sflag:s22] =	ssyncset.done $0x0;
	(pc) =	sbr.rel @p0 .LBB2_1-.Ltmp8, $4  }
0x19a: {  	[sflag:s22] =	ssyncadd.s32 $0xFFFFC000  }
0x19b: {  	_ =	swait.ge [sflag:s20], $0x4000  }
0x19c: {  	[sflag:s20] =	ssyncset.done $0x0  }
0x19d: {  	[sflag:s20] =	ssyncadd.s32 $0xFFFFC000  }
0x19e: {  	_ =	sfence.sel $0x180000  }
0x19f: {  	[bflag:$0x0] =	sbarrier.arrive $0xFFFF  }
0x1a0: {  	_ =	strace $0x90000047  }
0x1a1: {  	s0 =	stileid.u32;
	[bflag:$0x2] =	sbarrier.arrive $0xFFFF  }
0x1a2: {  	p0 =	sne.s32 s0, $0x0;
	s0 =	rddreg [dreg:$0x3]  }
0x1a3: {  	s0 =	sadd.s32 @!p0 $0x100000, s0  }
0x1a4: {  	[sflag:s0] =	ssyncadd.tile.s32 @!p0 $0x1;
	_ =	shalt  }
.Lfunc_end2:
_tile_overlayer_lowered:
.L_overlay_start_2:
0x1a5: {  	(tag) =	ssettag $0x2  }
0x1a6: {  	s0 =	rddreg [dreg:$0x0];
	s2 =	stileid.u32  }
0x1a7: {  	s1 =	rddreg [dreg:$0x1];
	p0 =	sne.s32 s2, $0x0  }
0x1a8: {  	s3 =	rddreg [dreg:$0x2];
	[bflag:$0x3] =	sbarrier.arrive $0xFFFF;
	s2 =	simm.s32 @!p0 $0x1C05  }
0x1a9: {  	[timem:s3], [sflag:s2] =	dma.local @!p0 [hbm:s0], s1  }
0x1aa: {  	s0 =	simm.s32 @!p0 $0x5  }
0x1ab: {  	_ =	swait.ge @!p0 [sflag:s0], s1  }
0x1ac: {  	s1 =	ssub.s32 @!p0 $0x0, s1;
	[sflag:s0] =	ssyncset.done @!p0 $0x0  }
0x1ad: {  	[sflag:s0] =	ssyncadd.s32 @!p0 s1  }
0x1ae: {  	[bflag:$0x3] =	sbarrier.arrive $0xFFFF  }
0x1af: {  	_ =	shalt  }

</sc_bundles>
